<compile_context>
chip_gen: v7x
topology: tpu7x:2x2x1
jax: 0.10.2.dev20260603
libtpu: 0.0.44.dev20260713+nightly
codegen_flags: <defaults>
</compile_context>

<pallas_src>
import functools

import jax
import jax.numpy as jnp
from jax import lax
from jax.experimental import pallas as pl
from jax.experimental.pallas import tpu as pltpu
from jax.experimental.pallas import tpu_sc as plsc

N = 10000
E = 320000
D = 128
BN_EPS = 1e-5

NC = 2
NS = 16
NW = NC * NS
EPT = E // NW
CHUNK = 80
NTRIP = 41
NCHUNK = 3 * NTRIP
PEEL_OFF = NCHUNK * CHUNK
TAIL_E_OFF = PEEL_OFF + CHUNK
TAIL_E = EPT - TAIL_E_OFF
ROWS_PT = 624
TAIL_OFF = NS * ROWS_PT
TAIL = N - TAIL_OFF

_sc_mesh = plsc.VectorSubcoreMesh(core_axis_name="c", subcore_axis_name="s")


@functools.partial(
    pl.kernel,
    out_type=jax.ShapeDtypeStruct((NC, N, D), jnp.float32),
    mesh=_sc_mesh,
    scratch_types=[
        pltpu.VMEM((EPT,), jnp.int32),
        pltpu.VMEM((EPT,), jnp.int32),
        pltpu.VMEM((CHUNK, D), jnp.float32),
        pltpu.VMEM((CHUNK, D), jnp.float32),
        pltpu.VMEM((CHUNK, D), jnp.float32),
        pltpu.VMEM_SHARED((N, D), jnp.float32),
        pltpu.SemaphoreType.DMA,
        pltpu.SemaphoreType.DMA,
        pltpu.SemaphoreType.DMA,
        pltpu.SemaphoreType.DMA,
        pltpu.SemaphoreType.DMA,
        pltpu.SemaphoreType.DMA,
    ],
    compiler_params=pltpu.CompilerParams(use_tc_tiling_on_sc=False),
)
def _segment_sum_sc(h_hbm, src_hbm, dst_hbm, out_hbm,
                    src_v, dst_v, rows0, rows1, rows2, acc,
                    gsem0, gsem1, gsem2, ssem0, ssem1, ssem2):
    c = lax.axis_index("c")
    s = lax.axis_index("s")
    wid = c * NS + s

    pltpu.sync_copy(src_hbm.at[pl.ds(wid * EPT, EPT)], src_v)
    pltpu.sync_copy(dst_hbm.at[pl.ds(wid * EPT, EPT)], dst_v)

    @pl.when(c == 0)
    def _init_from_h():
        pltpu.sync_copy(h_hbm.at[pl.ds(s * ROWS_PT, ROWS_PT)],
                        acc.at[pl.ds(s * ROWS_PT, ROWS_PT)])

        @pl.when(s == 0)
        def _tail():
            pltpu.sync_copy(h_hbm.at[pl.ds(TAIL_OFF, TAIL)],
                            acc.at[pl.ds(TAIL_OFF, TAIL)])

    @pl.when(c == 1)
    def _init_zero():
        def zrow(i, carry):
            for j in range(D // 16):
                rows0[i, pl.ds(j * 16, 16)] = jnp.zeros((16,), jnp.float32)
            return carry

        lax.fori_loop(0, CHUNK, zrow, 0)
        for k in range(ROWS_PT // CHUNK):
            pltpu.sync_copy(rows0.at[pl.ds(0, CHUNK)],
                            acc.at[pl.ds(s * ROWS_PT + k * CHUNK, CHUNK)])
        rem = ROWS_PT % CHUNK
        if rem:
            pltpu.sync_copy(
                rows0.at[pl.ds(0, rem)],
                acc.at[pl.ds(s * ROWS_PT + (ROWS_PT // CHUNK) * CHUNK, rem)])

        @pl.when(s == 0)
        def _tail():
            pltpu.sync_copy(rows0.at[pl.ds(0, TAIL)],
                            acc.at[pl.ds(TAIL_OFF, TAIL)])

    def _src(i):
        return src_v.at[pl.ds(i * CHUNK, CHUNK)]

    def _dst(i):
        return dst_v.at[pl.ds(i * CHUNK, CHUNK)]

    peel_src = src_v.at[pl.ds(PEEL_OFF, CHUNK)]
    peel_dst = dst_v.at[pl.ds(PEEL_OFF, CHUNK)]
    tail_src = src_v.at[pl.ds(TAIL_E_OFF, TAIL_E)]
    tail_dst = dst_v.at[pl.ds(TAIL_E_OFF, TAIL_E)]
    bufs = (rows0, rows1, rows2)
    gsems = (gsem0, gsem1, gsem2)
    ssems = (ssem0, ssem1, ssem2)

    pltpu.async_copy(h_hbm.at[_src(0)], rows0, gsem0)
    pltpu.async_copy(h_hbm.at[_src(1)], rows1, gsem1)
    pltpu.async_copy(h_hbm.at[peel_src], rows2, gsem2)
    plsc.subcore_barrier()

    pltpu.make_async_copy(h_hbm.at[peel_src], rows2, gsem2).wait()
    pltpu.async_copy(rows2, acc.at[peel_dst], ssem2, add=True)
    pltpu.make_async_copy(rows2, acc.at[peel_dst], ssem2).wait()
    pltpu.async_copy(h_hbm.at[tail_src], rows2, gsem2)
    pltpu.make_async_copy(h_hbm.at[tail_src], rows2, gsem2).wait()
    pltpu.async_copy(rows2, acc.at[tail_dst], ssem2, add=True)
    pltpu.make_async_copy(rows2, acc.at[tail_dst], ssem2).wait()
    pltpu.async_copy(h_hbm.at[_src(2)], rows2, gsem2)

    def trip(j, carry):
        base = 3 * j
        for k in range(3):
            cidx = base + k
            nxt = jnp.where(cidx + 3 >= NCHUNK, k, cidx + 3)
            buf, gs, ss = bufs[k], gsems[k], ssems[k]
            pltpu.make_async_copy(h_hbm.at[_src(cidx)], buf, gs).wait()
            pltpu.async_copy(buf, acc.at[_dst(cidx)], ss, add=True)
            pltpu.make_async_copy(buf, acc.at[_dst(cidx)], ss).wait()
            pltpu.async_copy(h_hbm.at[_src(nxt)], buf, gs)
        return carry

    lax.fori_loop(0, NTRIP, trip, 0)
    for k in range(3):
        pltpu.make_async_copy(h_hbm.at[_src(k)], bufs[k], gsems[k]).wait()
    plsc.subcore_barrier()

    pltpu.sync_copy(acc.at[pl.ds(s * ROWS_PT, ROWS_PT)],
                    out_hbm.at[c, pl.ds(s * ROWS_PT, ROWS_PT)])

    @pl.when(s == 0)
    def _flush_tail():
        pltpu.sync_copy(acc.at[pl.ds(TAIL_OFF, TAIL)],
                        out_hbm.at[c, pl.ds(TAIL_OFF, TAIL)])


RB = 1000
NB = N // RB


def _dense_body(h_ref, p_ref, sn_ref, w1_ref, b1_ref, w2_ref, b2_ref,
                g_ref, bt_ref, out_ref, y_sc, sum_sc, sq_sc):
    ph = pl.program_id(0)
    i = pl.program_id(1)

    @pl.when(ph == 0)
    def _compute():
        x = p_ref[0] + p_ref[1]
        y = jnp.dot(x, w1_ref[...], preferred_element_type=jnp.float32)
        y = jnp.maximum(y + b1_ref[...], 0.0)
        y = jnp.dot(y, w2_ref[...], preferred_element_type=jnp.float32)
        y = (y + b2_ref[...]) * sn_ref[...]
        y_sc[pl.ds(i * RB, RB), :] = y

        @pl.when(i == 0)
        def _init():
            sum_sc[...] = jnp.zeros_like(sum_sc)
            sq_sc[...] = jnp.zeros_like(sq_sc)

        sum_sc[...] += jnp.sum(y, axis=0, keepdims=True)
        sq_sc[...] += jnp.sum(y * y, axis=0, keepdims=True)

    @pl.when(ph == 1)
    def _normalize():
        mean = sum_sc[...] * (1.0 / N)
        var = sq_sc[...] * (1.0 / N) - mean * mean
        scale = lax.rsqrt(var + BN_EPS) * g_ref[...]
        y = y_sc[pl.ds(i * RB, RB), :]
        z = (y - mean) * scale + bt_ref[...]
        out_ref[...] = h_ref[...] + jnp.maximum(z, 0.0)


_dense_call = pl.pallas_call(
    _dense_body,
    grid=(2, NB),
    in_specs=[
        pl.BlockSpec((RB, D), lambda ph, i: (jnp.where(ph == 0, 0, i), 0)),
        pl.BlockSpec((NC, RB, D), lambda ph, i: (0, jnp.where(ph == 0, i, 0), 0)),
        pl.BlockSpec((RB, 1), lambda ph, i: (i, 0)),
        pl.BlockSpec((D, D), lambda ph, i: (0, 0)),
        pl.BlockSpec((1, D), lambda ph, i: (0, 0)),
        pl.BlockSpec((D, D), lambda ph, i: (0, 0)),
        pl.BlockSpec((1, D), lambda ph, i: (0, 0)),
        pl.BlockSpec((1, D), lambda ph, i: (0, 0)),
        pl.BlockSpec((1, D), lambda ph, i: (0, 0)),
    ],
    out_specs=pl.BlockSpec((RB, D), lambda ph, i: (jnp.where(ph == 0, 0, i), 0)),
    out_shape=jax.ShapeDtypeStruct((N, D), jnp.float32),
    scratch_shapes=[
        pltpu.VMEM((N, D), jnp.float32),
        pltpu.VMEM((1, D), jnp.float32),
        pltpu.VMEM((1, D), jnp.float32),
    ],
    compiler_params=pltpu.CompilerParams(
        dimension_semantics=("arbitrary", "arbitrary"),
    ),
)


def kernel(h, edge_index, snorm_n, W1, b1, W2, b2, gamma, beta):
    partials = _segment_sum_sc(h, edge_index[0], edge_index[1])
    return _dense_call(h, partials, snorm_n,
                       W1, b1.reshape(1, D), W2, b2.reshape(1, D),
                       gamma.reshape(1, D), beta.reshape(1, D))

# --- scband reference (transcript-rebuilt; emitter-appended) ---
"""Pipeline reference for scband-ginlayer-44315472560249 (READ-ONLY COPY).

The authoritative reference and input builder live on the scoring server;
editing this copy changes nothing except your own understanding.
"""

import jax, jax.numpy as jnp
import numpy as np

N = 10000
E = 320000
D = 128
GIN_EPS = 0.0  # init_eps, non-learnable buffer (learn_eps=False)
BN_EPS = 1e-5


def setup_inputs(seed: int = 0) -> dict:
    key = jax.random.key(seed)
    ks = jax.random.split(key, 10)
    h = jax.random.normal(ks[0], (N, D), dtype=jnp.float32)
    edge_index = jax.random.randint(ks[1], (2, E), 0, N, dtype=jnp.int32)
    snorm_n = jax.random.uniform(ks[2], (N, 1), dtype=jnp.float32)
    # MLP apply_func params: Linear(D->D) -> ReLU -> Linear(D->D)
    W1 = jax.random.normal(ks[3], (D, D), dtype=jnp.float32) * 0.05
    b1 = jnp.zeros((D,), dtype=jnp.float32)
    W2 = jax.random.normal(ks[4], (D, D), dtype=jnp.float32) * 0.05
    b2 = jnp.zeros((D,), dtype=jnp.float32)
    # BatchNorm1d params
    gamma = jnp.ones((D,), dtype=jnp.float32)
    beta = jnp.zeros((D,), dtype=jnp.float32)
    return {"h": h, "edge_index": edge_index, "snorm_n": snorm_n,
            "W1": W1, "b1": b1, "W2": W2, "b2": b2,
            "gamma": gamma, "beta": beta}


def reference(h, edge_index, snorm_n, W1, b1, W2, b2, gamma, beta):
    src = edge_index[0]
    dst = edge_index[1]
    # message passing: copy_u + sum reducer -> scatter-add of source features to dst
    neigh = jax.ops.segment_sum(jnp.take(h, src, axis=0), dst, num_segments=N)
    out = (1.0 + GIN_EPS) * h + neigh
    # apply_func MLP: Linear -> ReLU -> Linear
    out = jnp.maximum(out @ W1 + b1, 0.0)
    out = out @ W2 + b2
    # graph_norm
    out = out * snorm_n
    # batch_norm (training-mode batch statistics, biased variance)
    mean = jnp.mean(out, axis=0)
    var = jnp.var(out, axis=0)
    out = (out - mean) / jnp.sqrt(var + BN_EPS) * gamma + beta
    # ReLU
    out = jnp.maximum(out, 0.0)
    # residual (in_dim == out_dim, residual=True)
    out = h + out
    # dropout p=0.0 -> identity
    return out

if __name__ == "__main__":
    import jax
    _d = setup_inputs()
    print(jax.jit(kernel)(*tuple(_d.values())))

</pallas_src>

<mosaic_0001>
#map = affine_map<(d0, d1) -> (0, 0)>
#map1 = affine_map<(d0, d1) -> (0)>
#map2 = affine_map<(d0, d1) -> (0, 0, 0)>
module attributes {stable_mosaic.version = 14 : i64} {
  func.func @_segment_sum_sc(%arg0: i32, %arg1: i32, %arg2: memref<10000x128xf32, #tpu.memory_space<hbm>>, %arg3: memref<320000xi32, #tpu.memory_space<hbm>>, %arg4: memref<320000xi32, #tpu.memory_space<hbm>>, %arg5: memref<2x10000x128xf32, #tpu.memory_space<hbm>>, %arg6: memref<10000xi32, #tpu.memory_space<vmem>>, %arg7: memref<10000xi32, #tpu.memory_space<vmem>>, %arg8: memref<80x128xf32, #tpu.memory_space<vmem>>, %arg9: memref<80x128xf32, #tpu.memory_space<vmem>>, %arg10: memref<80x128xf32, #tpu.memory_space<vmem>>, %arg11: memref<10000x128xf32, #tpu.memory_space<vmem_shared>>, %arg12: memref<!tpu.dma_semaphore, #tpu.memory_space<semaphore_mem>>, %arg13: memref<!tpu.dma_semaphore, #tpu.memory_space<semaphore_mem>>, %arg14: memref<!tpu.dma_semaphore, #tpu.memory_space<semaphore_mem>>, %arg15: memref<!tpu.dma_semaphore, #tpu.memory_space<semaphore_mem>>, %arg16: memref<!tpu.dma_semaphore, #tpu.memory_space<semaphore_mem>>, %arg17: memref<!tpu.dma_semaphore, #tpu.memory_space<semaphore_mem>>) attributes {dimension_semantics = [#tpu.dimension_semantics<core_parallel>, #tpu.dimension_semantics<subcore_parallel>], iteration_bounds = array<i64: 2, 16>, scalar_prefetch = 0 : i64, scratch_operands = 12 : i64, tpu.core_type = #tpu.core_type<sc_vector_subcore>, window_params = [{transform_indices = #map}, {transform_indices = #map1}, {transform_indices = #map1}, {transform_indices = #map2}]} {
    %mul3A = arith.constant 16 : i32
    %mul3A_0 = arith.muli %arg0, %mul3A : i32
    %add3A = arith.addi %mul3A_0, %arg1 : i32
    %mul3A_1 = arith.constant 10000 : i32
    %mul3A_2 = arith.muli %add3A, %mul3A_1 : i32
    "tpu.region"() ({
      %run_scoped3A = tpu.sem_alloc : memref<!tpu.dma_semaphore, #tpu.memory_space<semaphore_mem>>
      %dma_start3A_95 = tpu.memref_slice %arg3[%mul3A_2] : memref<320000xi32, #tpu.memory_space<hbm>> -> memref<10000xi32, #tpu.memory_space<hbm>>
      %dma_start3A_96 = tpu.memref_slice %arg3[%mul3A_2] : memref<320000xi32, #tpu.memory_space<hbm>> -> memref<10000xi32, #tpu.memory_space<hbm>>
      tpu.enqueue_dma source(%dma_start3A_96 : memref<10000xi32, #tpu.memory_space<hbm>>) target(%arg6 : memref<10000xi32, #tpu.memory_space<vmem>>) target_semaphore(%run_scoped3A : memref<!tpu.dma_semaphore, #tpu.memory_space<semaphore_mem>>)
      %dma_wait3A_97 = tpu.memref_slice %arg3[%mul3A_2] : memref<320000xi32, #tpu.memory_space<hbm>> -> memref<10000xi32, #tpu.memory_space<hbm>>
      %dma_wait3A_98 = tpu.memref_slice %arg3[%mul3A_2] : memref<320000xi32, #tpu.memory_space<hbm>> -> memref<10000xi32, #tpu.memory_space<hbm>>
      tpu.wait_dma2 semaphore(%run_scoped3A : memref<!tpu.dma_semaphore, #tpu.memory_space<semaphore_mem>>) src(%dma_wait3A_98 : memref<10000xi32, #tpu.memory_space<hbm>>) dst(%arg6 : memref<10000xi32, #tpu.memory_space<vmem>>)
      tpu.yield
    }) : () -> ()
    %mul3A_3 = arith.constant 10000 : i32
    %mul3A_4 = arith.muli %add3A, %mul3A_3 : i32
    "tpu.region"() ({
      %run_scoped3A = tpu.sem_alloc : memref<!tpu.dma_semaphore, #tpu.memory_space<semaphore_mem>>
      %dma_start3A_95 = tpu.memref_slice %arg4[%mul3A_4] : memref<320000xi32, #tpu.memory_space<hbm>> -> memref<10000xi32, #tpu.memory_space<hbm>>
      %dma_start3A_96 = tpu.memref_slice %arg4[%mul3A_4] : memref<320000xi32, #tpu.memory_space<hbm>> -> memref<10000xi32, #tpu.memory_space<hbm>>
      tpu.enqueue_dma source(%dma_start3A_96 : memref<10000xi32, #tpu.memory_space<hbm>>) target(%arg7 : memref<10000xi32, #tpu.memory_space<vmem>>) target_semaphore(%run_scoped3A : memref<!tpu.dma_semaphore, #tpu.memory_space<semaphore_mem>>)
      %dma_wait3A_97 = tpu.memref_slice %arg4[%mul3A_4] : memref<320000xi32, #tpu.memory_space<hbm>> -> memref<10000xi32, #tpu.memory_space<hbm>>
      %dma_wait3A_98 = tpu.memref_slice %arg4[%mul3A_4] : memref<320000xi32, #tpu.memory_space<hbm>> -> memref<10000xi32, #tpu.memory_space<hbm>>
      tpu.wait_dma2 semaphore(%run_scoped3A : memref<!tpu.dma_semaphore, #tpu.memory_space<semaphore_mem>>) src(%dma_wait3A_98 : memref<10000xi32, #tpu.memory_space<hbm>>) dst(%arg7 : memref<10000xi32, #tpu.memory_space<vmem>>)
      tpu.yield
    }) : () -> ()
    %eq3A = arith.constant 0 : i32
    %eq3A_5 = arith.cmpi eq, %arg0, %eq3A : i32
    %convert_element_type3A = arith.extui %eq3A_5 : i1 to i32
    %cond3A = arith.constant 0 : i32
    %cond3A_6 = arith.cmpi ne, %convert_element_type3A, %cond3A : i32
    scf.if %cond3A_6 {
      %mul3A_95 = arith.constant 624 : i32
      %mul3A_96 = arith.muli %arg1, %mul3A_95 : i32
      %mul3A_97 = arith.constant 624 : i32
      %mul3A_98 = arith.muli %arg1, %mul3A_97 : i32
      "tpu.region"() ({
        %run_scoped3A = tpu.sem_alloc : memref<!tpu.dma_semaphore, #tpu.memory_space<semaphore_mem>>
        %dma_start3A_104 = arith.constant 0 : i32
        %dma_start3A_105 = tpu.memref_slice %arg11[%mul3A_98, %dma_start3A_104] : memref<10000x128xf32, #tpu.memory_space<vmem_shared>> -> memref<624x128xf32, #tpu.memory_space<vmem_shared>>
        %dma_start3A_106 = arith.constant 0 : i32
        %dma_start3A_107 = tpu.memref_slice %arg2[%mul3A_96, %dma_start3A_106] : memref<10000x128xf32, #tpu.memory_space<hbm>> -> memref<624x128xf32, #tpu.memory_space<hbm>>
        tpu.enqueue_dma source(%dma_start3A_107 : memref<624x128xf32, #tpu.memory_space<hbm>>) target(%dma_start3A_105 : memref<624x128xf32, #tpu.memory_space<vmem_shared>>) target_semaphore(%run_scoped3A : memref<!tpu.dma_semaphore, #tpu.memory_space<semaphore_mem>>)
        %dma_wait3A_108 = arith.constant 0 : i32
        %dma_wait3A_109 = tpu.memref_slice %arg11[%mul3A_98, %dma_wait3A_108] : memref<10000x128xf32, #tpu.memory_space<vmem_shared>> -> memref<624x128xf32, #tpu.memory_space<vmem_shared>>
        %dma_wait3A_110 = arith.constant 0 : i32
        %dma_wait3A_111 = tpu.memref_slice %arg2[%mul3A_96, %dma_wait3A_110] : memref<10000x128xf32, #tpu.memory_space<hbm>> -> memref<624x128xf32, #tpu.memory_space<hbm>>
        tpu.wait_dma2 semaphore(%run_scoped3A : memref<!tpu.dma_semaphore, #tpu.memory_space<semaphore_mem>>) src(%dma_wait3A_111 : memref<624x128xf32, #tpu.memory_space<hbm>>) dst(%dma_wait3A_109 : memref<624x128xf32, #tpu.memory_space<vmem_shared>>)
        tpu.yield
      }) : () -> ()
      %eq3A_99 = arith.constant 0 : i32
      %eq3A_100 = arith.cmpi eq, %arg1, %eq3A_99 : i32
      %convert_element_type3A_101 = arith.extui %eq3A_100 : i1 to i32
      %cond3A_102 = arith.constant 0 : i32
      %cond3A_103 = arith.cmpi ne, %convert_element_type3A_101, %cond3A_102 : i32
      scf.if %cond3A_103 {
        "tpu.region"() ({
          %run_scoped3A = tpu.sem_alloc : memref<!tpu.dma_semaphore, #tpu.memory_space<semaphore_mem>>
          %dma_start3A_104 = arith.constant 9984 : i32
          %dma_start3A_105 = arith.constant 0 : i32
          %dma_start3A_106 = tpu.memref_slice %arg11[%dma_start3A_104, %dma_start3A_105] : memref<10000x128xf32, #tpu.memory_space<vmem_shared>> -> memref<16x128xf32, #tpu.memory_space<vmem_shared>>
          %dma_start3A_107 = arith.constant 9984 : i32
          %dma_start3A_108 = arith.constant 0 : i32
          %dma_start3A_109 = tpu.memref_slice %arg2[%dma_start3A_107, %dma_start3A_108] : memref<10000x128xf32, #tpu.memory_space<hbm>> -> memref<16x128xf32, #tpu.memory_space<hbm>>
          tpu.enqueue_dma source(%dma_start3A_109 : memref<16x128xf32, #tpu.memory_space<hbm>>) target(%dma_start3A_106 : memref<16x128xf32, #tpu.memory_space<vmem_shared>>) target_semaphore(%run_scoped3A : memref<!tpu.dma_semaphore, #tpu.memory_space<semaphore_mem>>)
          %dma_wait3A_110 = arith.constant 9984 : i32
          %dma_wait3A_111 = arith.constant 0 : i32
          %dma_wait3A_112 = tpu.memref_slice %arg11[%dma_wait3A_110, %dma_wait3A_111] : memref<10000x128xf32, #tpu.memory_space<vmem_shared>> -> memref<16x128xf32, #tpu.memory_space<vmem_shared>>
          %dma_wait3A_113 = arith.constant 9984 : i32
          %dma_wait3A_114 = arith.constant 0 : i32
          %dma_wait3A_115 = tpu.memref_slice %arg2[%dma_wait3A_113, %dma_wait3A_114] : memref<10000x128xf32, #tpu.memory_space<hbm>> -> memref<16x128xf32, #tpu.memory_space<hbm>>
          tpu.wait_dma2 semaphore(%run_scoped3A : memref<!tpu.dma_semaphore, #tpu.memory_space<semaphore_mem>>) src(%dma_wait3A_115 : memref<16x128xf32, #tpu.memory_space<hbm>>) dst(%dma_wait3A_112 : memref<16x128xf32, #tpu.memory_space<vmem_shared>>)
          tpu.yield
        }) : () -> ()
      } else {
      }
    } else {
    }
    %eq3A_7 = arith.constant 1 : i32
    %eq3A_8 = arith.cmpi eq, %arg0, %eq3A_7 : i32
    %convert_element_type3A_9 = arith.extui %eq3A_8 : i1 to i32
    %cond3A_10 = arith.constant 0 : i32
    %cond3A_11 = arith.cmpi ne, %convert_element_type3A_9, %cond3A_10 : i32
    scf.if %cond3A_11 {
      %scan3A_95 = arith.constant 0 : i32
      %scan3A_96 = arith.constant 0 : i32
      %scan3A_97 = arith.constant 80 : i32
      %scan3A_98 = arith.addi %scan3A_96, %scan3A_97 : i32
      %scan3A_99 = arith.constant 1 : i32
      scf.for %scan3A_138 = %scan3A_96 to %scan3A_98 step %scan3A_99  : i32 {
        %broadcast_in_dim3A = arith.constant 0.000000e+00 : f32
        %broadcast_in_dim3A_139 = vector.broadcast %broadcast_in_dim3A : f32 to vector<16xf32>
        %swap3A = arith.index_cast %scan3A_138 : i32 to index
        %swap3A_140 = arith.constant 0 : index
        %swap3A_141 = tpu.vector_load %arg8[%swap3A, %swap3A_140] {strides = array<i32>} : memref<80x128xf32, #tpu.memory_space<vmem>>, vector<1x16xf32>,
        %swap3A_142 = vector.shape_cast %swap3A_141 : vector<1x16xf32> to vector<16xf32>
        %swap3A_143 = vector.shape_cast %broadcast_in_dim3A_139 : vector<16xf32> to vector<1x16xf32>
        tpu.vector_store %arg8[%swap3A, %swap3A_140], %swap3A_143 {strides = array<i32>} : memref<80x128xf32, #tpu.memory_space<vmem>>, vector<1x16xf32>,
        %broadcast_in_dim3A_144 = arith.constant 0.000000e+00 : f32
        %broadcast_in_dim3A_145 = vector.broadcast %broadcast_in_dim3A_144 : f32 to vector<16xf32>
        %swap3A_146 = arith.index_cast %scan3A_138 : i32 to index
        %swap3A_147 = arith.constant 16 : index
        %swap3A_148 = tpu.vector_load %arg8[%swap3A_146, %swap3A_147] {strides = array<i32>} : memref<80x128xf32, #tpu.memory_space<vmem>>, vector<1x16xf32>,
        %swap3A_149 = vector.shape_cast %swap3A_148 : vector<1x16xf32> to vector<16xf32>
        %swap3A_150 = vector.shape_cast %broadcast_in_dim3A_145 : vector<16xf32> to vector<1x16xf32>
        tpu.vector_store %arg8[%swap3A_146, %swap3A_147], %swap3A_150 {strides = array<i32>} : memref<80x128xf32, #tpu.memory_space<vmem>>, vector<1x16xf32>,
        %broadcast_in_dim3A_151 = arith.constant 0.000000e+00 : f32
        %broadcast_in_dim3A_152 = vector.broadcast %broadcast_in_dim3A_151 : f32 to vector<16xf32>
        %swap3A_153 = arith.index_cast %scan3A_138 : i32 to index
        %swap3A_154 = arith.constant 32 : index
        %swap3A_155 = tpu.vector_load %arg8[%swap3A_153, %swap3A_154] {strides = array<i32>} : memref<80x128xf32, #tpu.memory_space<vmem>>, vector<1x16xf32>,
        %swap3A_156 = vector.shape_cast %swap3A_155 : vector<1x16xf32> to vector<16xf32>
        %swap3A_157 = vector.shape_cast %broadcast_in_dim3A_152 : vector<16xf32> to vector<1x16xf32>
        tpu.vector_store %arg8[%swap3A_153, %swap3A_154], %swap3A_157 {strides = array<i32>} : memref<80x128xf32, #tpu.memory_space<vmem>>, vector<1x16xf32>,
        %broadcast_in_dim3A_158 = arith.constant 0.000000e+00 : f32
        %broadcast_in_dim3A_159 = vector.broadcast %broadcast_in_dim3A_158 : f32 to vector<16xf32>
        %swap3A_160 = arith.index_cast %scan3A_138 : i32 to index
        %swap3A_161 = arith.constant 48 : index
        %swap3A_162 = tpu.vector_load %arg8[%swap3A_160, %swap3A_161] {strides = array<i32>} : memref<80x128xf32, #tpu.memory_space<vmem>>, vector<1x16xf32>,
        %swap3A_163 = vector.shape_cast %swap3A_162 : vector<1x16xf32> to vector<16xf32>
        %swap3A_164 = vector.shape_cast %broadcast_in_dim3A_159 : vector<16xf32> to vector<1x16xf32>
        tpu.vector_store %arg8[%swap3A_160, %swap3A_161], %swap3A_164 {strides = array<i32>} : memref<80x128xf32, #tpu.memory_space<vmem>>, vector<1x16xf32>,
        %broadcast_in_dim3A_165 = arith.constant 0.000000e+00 : f32
        %broadcast_in_dim3A_166 = vector.broadcast %broadcast_in_dim3A_165 : f32 to vector<16xf32>
        %swap3A_167 = arith.index_cast %scan3A_138 : i32 to index
        %swap3A_168 = arith.constant 64 : index
        %swap3A_169 = tpu.vector_load %arg8[%swap3A_167, %swap3A_168] {strides = array<i32>} : memref<80x128xf32, #tpu.memory_space<vmem>>, vector<1x16xf32>,
        %swap3A_170 = vector.shape_cast %swap3A_169 : vector<1x16xf32> to vector<16xf32>
        %swap3A_171 = vector.shape_cast %broadcast_in_dim3A_166 : vector<16xf32> to vector<1x16xf32>
        tpu.vector_store %arg8[%swap3A_167, %swap3A_168], %swap3A_171 {strides = array<i32>} : memref<80x128xf32, #tpu.memory_space<vmem>>, vector<1x16xf32>,
        %broadcast_in_dim3A_172 = arith.constant 0.000000e+00 : f32
        %broadcast_in_dim3A_173 = vector.broadcast %broadcast_in_dim3A_172 : f32 to vector<16xf32>
        %swap3A_174 = arith.index_cast %scan3A_138 : i32 to index
        %swap3A_175 = arith.constant 80 : index
        %swap3A_176 = tpu.vector_load %arg8[%swap3A_174, %swap3A_175] {strides = array<i32>} : memref<80x128xf32, #tpu.memory_space<vmem>>, vector<1x16xf32>,
        %swap3A_177 = vector.shape_cast %swap3A_176 : vector<1x16xf32> to vector<16xf32>
        %swap3A_178 = vector.shape_cast %broadcast_in_dim3A_173 : vector<16xf32> to vector<1x16xf32>
        tpu.vector_store %arg8[%swap3A_174, %swap3A_175], %swap3A_178 {strides = array<i32>} : memref<80x128xf32, #tpu.memory_space<vmem>>, vector<1x16xf32>,
        %broadcast_in_dim3A_179 = arith.constant 0.000000e+00 : f32
        %broadcast_in_dim3A_180 = vector.broadcast %broadcast_in_dim3A_179 : f32 to vector<16xf32>
        %swap3A_181 = arith.index_cast %scan3A_138 : i32 to index
        %swap3A_182 = arith.constant 96 : index
        %swap3A_183 = tpu.vector_load %arg8[%swap3A_181, %swap3A_182] {strides = array<i32>} : memref<80x128xf32, #tpu.memory_space<vmem>>, vector<1x16xf32>,
        %swap3A_184 = vector.shape_cast %swap3A_183 : vector<1x16xf32> to vector<16xf32>
        %swap3A_185 = vector.shape_cast %broadcast_in_dim3A_180 : vector<16xf32> to vector<1x16xf32>
        tpu.vector_store %arg8[%swap3A_181, %swap3A_182], %swap3A_185 {strides = array<i32>} : memref<80x128xf32, #tpu.memory_space<vmem>>, vector<1x16xf32>,
        %broadcast_in_dim3A_186 = arith.constant 0.000000e+00 : f32
        %broadcast_in_dim3A_187 = vector.broadcast %broadcast_in_dim3A_186 : f32 to vector<16xf32>
        %swap3A_188 = arith.index_cast %scan3A_138 : i32 to index
        %swap3A_189 = arith.constant 112 : index
        %swap3A_190 = tpu.vector_load %arg8[%swap3A_188, %swap3A_189] {strides = array<i32>} : memref<80x128xf32, #tpu.memory_space<vmem>>, vector<1x16xf32>,
        %swap3A_191 = vector.shape_cast %swap3A_190 : vector<1x16xf32> to vector<16xf32>
        %swap3A_192 = vector.shape_cast %broadcast_in_dim3A_187 : vector<16xf32> to vector<1x16xf32>
        tpu.vector_store %arg8[%swap3A_188, %swap3A_189], %swap3A_192 {strides = array<i32>} : memref<80x128xf32, #tpu.memory_space<vmem>>, vector<1x16xf32>,
      }
      %scan3A_100 = arith.constant 80 : i32
      %mul3A_101 = arith.constant 624 : i32
      %mul3A_102 = arith.muli %arg1, %mul3A_101 : i32
      %add3A_103 = arith.constant 0 : i32
      %add3A_104 = arith.addi %mul3A_102, %add3A_103 : i32
      "tpu.region"() ({
        %run_scoped3A = tpu.sem_alloc : memref<!tpu.dma_semaphore, #tpu.memory_space<semaphore_mem>>
        %dma_start3A_138 = arith.constant 0 : i32
        %dma_start3A_139 = arith.constant 0 : i32
        %dma_start3A_140 = tpu.memref_slice %arg8[%dma_start3A_138, %dma_start3A_139] : memref<80x128xf32, #tpu.memory_space<vmem>> -> memref<80x128xf32, #tpu.memory_space<vmem>>
        %dma_start3A_141 = arith.constant 0 : i32
        %dma_start3A_142 = tpu.memref_slice %arg11[%add3A_104, %dma_start3A_141] : memref<10000x128xf32, #tpu.memory_space<vmem_shared>> -> memref<80x128xf32, #tpu.memory_space<vmem_shared>>
        %dma_start3A_143 = arith.constant 0 : i32
        %dma_start3A_144 = tpu.memref_slice %arg11[%add3A_104, %dma_start3A_143] : memref<10000x128xf32, #tpu.memory_space<vmem_shared>> -> memref<80x128xf32, #tpu.memory_space<vmem_shared>>
        %dma_start3A_145 = arith.constant 0 : i32
        %dma_start3A_146 = arith.constant 0 : i32
        %dma_start3A_147 = tpu.memref_slice %arg8[%dma_start3A_145, %dma_start3A_146] : memref<80x128xf32, #tpu.memory_space<vmem>> -> memref<80x128xf32, #tpu.memory_space<vmem>>
        tpu.enqueue_dma source(%dma_start3A_147 : memref<80x128xf32, #tpu.memory_space<vmem>>) target(%dma_start3A_144 : memref<80x128xf32, #tpu.memory_space<vmem_shared>>) target_semaphore(%run_scoped3A : memref<!tpu.dma_semaphore, #tpu.memory_space<semaphore_mem>>)
        %dma_wait3A_148 = arith.constant 0 : i32
        %dma_wait3A_149 = arith.constant 0 : i32
        %dma_wait3A_150 = tpu.memref_slice %arg8[%dma_wait3A_148, %dma_wait3A_149] : memref<80x128xf32, #tpu.memory_space<vmem>> -> memref<80x128xf32, #tpu.memory_space<vmem>>
        %dma_wait3A_151 = arith.constant 0 : i32
        %dma_wait3A_152 = tpu.memref_slice %arg11[%add3A_104, %dma_wait3A_151] : memref<10000x128xf32, #tpu.memory_space<vmem_shared>> -> memref<80x128xf32, #tpu.memory_space<vmem_shared>>
        %dma_wait3A_153 = arith.constant 0 : i32
        %dma_wait3A_154 = tpu.memref_slice %arg11[%add3A_104, %dma_wait3A_153] : memref<10000x128xf32, #tpu.memory_space<vmem_shared>> -> memref<80x128xf32, #tpu.memory_space<vmem_shared>>
        %dma_wait3A_155 = arith.constant 0 : i32
        %dma_wait3A_156 = arith.constant 0 : i32
        %dma_wait3A_157 = tpu.memref_slice %arg8[%dma_wait3A_155, %dma_wait3A_156] : memref<80x128xf32, #tpu.memory_space<vmem>> -> memref<80x128xf32, #tpu.memory_space<vmem>>
        tpu.wait_dma2 semaphore(%run_scoped3A : memref<!tpu.dma_semaphore, #tpu.memory_space<semaphore_mem>>) src(%dma_wait3A_157 : memref<80x128xf32, #tpu.memory_space<vmem>>) dst(%dma_wait3A_154 : memref<80x128xf32, #tpu.memory_space<vmem_shared>>)
        tpu.yield
      }) : () -> ()
      %mul3A_105 = arith.constant 624 : i32
      %mul3A_106 = arith.muli %arg1, %mul3A_105 : i32
      %add3A_107 = arith.constant 80 : i32
      %add3A_108 = arith.addi %mul3A_106, %add3A_107 : i32
      "tpu.region"() ({
        %run_scoped3A = tpu.sem_alloc : memref<!tpu.dma_semaphore, #tpu.memory_space<semaphore_mem>>
        %dma_start3A_138 = arith.constant 0 : i32
        %dma_start3A_139 = arith.constant 0 : i32
        %dma_start3A_140 = tpu.memref_slice %arg8[%dma_start3A_138, %dma_start3A_139] : memref<80x128xf32, #tpu.memory_space<vmem>> -> memref<80x128xf32, #tpu.memory_space<vmem>>
        %dma_start3A_141 = arith.constant 0 : i32
        %dma_start3A_142 = tpu.memref_slice %arg11[%add3A_108, %dma_start3A_141] : memref<10000x128xf32, #tpu.memory_space<vmem_shared>> -> memref<80x128xf32, #tpu.memory_space<vmem_shared>>
        %dma_start3A_143 = arith.constant 0 : i32
        %dma_start3A_144 = tpu.memref_slice %arg11[%add3A_108, %dma_start3A_143] : memref<10000x128xf32, #tpu.memory_space<vmem_shared>> -> memref<80x128xf32, #tpu.memory_space<vmem_shared>>
        %dma_start3A_145 = arith.constant 0 : i32
        %dma_start3A_146 = arith.constant 0 : i32
        %dma_start3A_147 = tpu.memref_slice %arg8[%dma_start3A_145, %dma_start3A_146] : memref<80x128xf32, #tpu.memory_space<vmem>> -> memref<80x128xf32, #tpu.memory_space<vmem>>
        tpu.enqueue_dma source(%dma_start3A_147 : memref<80x128xf32, #tpu.memory_space<vmem>>) target(%dma_start3A_144 : memref<80x128xf32, #tpu.memory_space<vmem_shared>>) target_semaphore(%run_scoped3A : memref<!tpu.dma_semaphore, #tpu.memory_space<semaphore_mem>>)
        %dma_wait3A_148 = arith.constant 0 : i32
        %dma_wait3A_149 = arith.constant 0 : i32
        %dma_wait3A_150 = tpu.memref_slice %arg8[%dma_wait3A_148, %dma_wait3A_149] : memref<80x128xf32, #tpu.memory_space<vmem>> -> memref<80x128xf32, #tpu.memory_space<vmem>>
        %dma_wait3A_151 = arith.constant 0 : i32
        %dma_wait3A_152 = tpu.memref_slice %arg11[%add3A_108, %dma_wait3A_151] : memref<10000x128xf32, #tpu.memory_space<vmem_shared>> -> memref<80x128xf32, #tpu.memory_space<vmem_shared>>
        %dma_wait3A_153 = arith.constant 0 : i32
        %dma_wait3A_154 = tpu.memref_slice %arg11[%add3A_108, %dma_wait3A_153] : memref<10000x128xf32, #tpu.memory_space<vmem_shared>> -> memref<80x128xf32, #tpu.memory_space<vmem_shared>>
        %dma_wait3A_155 = arith.constant 0 : i32
        %dma_wait3A_156 = arith.constant 0 : i32
        %dma_wait3A_157 = tpu.memref_slice %arg8[%dma_wait3A_155, %dma_wait3A_156] : memref<80x128xf32, #tpu.memory_space<vmem>> -> memref<80x128xf32, #tpu.memory_space<vmem>>
        tpu.wait_dma2 semaphore(%run_scoped3A : memref<!tpu.dma_semaphore, #tpu.memory_space<semaphore_mem>>) src(%dma_wait3A_157 : memref<80x128xf32, #tpu.memory_space<vmem>>) dst(%dma_wait3A_154 : memref<80x128xf32, #tpu.memory_space<vmem_shared>>)
        tpu.yield
      }) : () -> ()
      %mul3A_109 = arith.constant 624 : i32
      %mul3A_110 = arith.muli %arg1, %mul3A_109 : i32
      %add3A_111 = arith.constant 160 : i32
      %add3A_112 = arith.addi %mul3A_110, %add3A_111 : i32
      "tpu.region"() ({
        %run_scoped3A = tpu.sem_alloc : memref<!tpu.dma_semaphore, #tpu.memory_space<semaphore_mem>>
        %dma_start3A_138 = arith.constant 0 : i32
        %dma_start3A_139 = arith.constant 0 : i32
        %dma_start3A_140 = tpu.memref_slice %arg8[%dma_start3A_138, %dma_start3A_139] : memref<80x128xf32, #tpu.memory_space<vmem>> -> memref<80x128xf32, #tpu.memory_space<vmem>>
        %dma_start3A_141 = arith.constant 0 : i32
        %dma_start3A_142 = tpu.memref_slice %arg11[%add3A_112, %dma_start3A_141] : memref<10000x128xf32, #tpu.memory_space<vmem_shared>> -> memref<80x128xf32, #tpu.memory_space<vmem_shared>>
        %dma_start3A_143 = arith.constant 0 : i32
        %dma_start3A_144 = tpu.memref_slice %arg11[%add3A_112, %dma_start3A_143] : memref<10000x128xf32, #tpu.memory_space<vmem_shared>> -> memref<80x128xf32, #tpu.memory_space<vmem_shared>>
        %dma_start3A_145 = arith.constant 0 : i32
        %dma_start3A_146 = arith.constant 0 : i32
        %dma_start3A_147 = tpu.memref_slice %arg8[%dma_start3A_145, %dma_start3A_146] : memref<80x128xf32, #tpu.memory_space<vmem>> -> memref<80x128xf32, #tpu.memory_space<vmem>>
        tpu.enqueue_dma source(%dma_start3A_147 : memref<80x128xf32, #tpu.memory_space<vmem>>) target(%dma_start3A_144 : memref<80x128xf32, #tpu.memory_space<vmem_shared>>) target_semaphore(%run_scoped3A : memref<!tpu.dma_semaphore, #tpu.memory_space<semaphore_mem>>)
        %dma_wait3A_148 = arith.constant 0 : i32
        %dma_wait3A_149 = arith.constant 0 : i32
        %dma_wait3A_150 = tpu.memref_slice %arg8[%dma_wait3A_148, %dma_wait3A_149] : memref<80x128xf32, #tpu.memory_space<vmem>> -> memref<80x128xf32, #tpu.memory_space<vmem>>
        %dma_wait3A_151 = arith.constant 0 : i32
        %dma_wait3A_152 = tpu.memref_slice %arg11[%add3A_112, %dma_wait3A_151] : memref<10000x128xf32, #tpu.memory_space<vmem_shared>> -> memref<80x128xf32, #tpu.memory_space<vmem_shared>>
        %dma_wait3A_153 = arith.constant 0 : i32
        %dma_wait3A_154 = tpu.memref_slice %arg11[%add3A_112, %dma_wait3A_153] : memref<10000x128xf32, #tpu.memory_space<vmem_shared>> -> memref<80x128xf32, #tpu.memory_space<vmem_shared>>
        %dma_wait3A_155 = arith.constant 0 : i32
        %dma_wait3A_156 = arith.constant 0 : i32
        %dma_wait3A_157 = tpu.memref_slice %arg8[%dma_wait3A_155, %dma_wait3A_156] : memref<80x128xf32, #tpu.memory_space<vmem>> -> memref<80x128xf32, #tpu.memory_space<vmem>>
        tpu.wait_dma2 semaphore(%run_scoped3A : memref<!tpu.dma_semaphore, #tpu.memory_space<semaphore_mem>>) src(%dma_wait3A_157 : memref<80x128xf32, #tpu.memory_space<vmem>>) dst(%dma_wait3A_154 : memref<80x128xf32, #tpu.memory_space<vmem_shared>>)
        tpu.yield
      }) : () -> ()
      %mul3A_113 = arith.constant 624 : i32
      %mul3A_114 = arith.muli %arg1, %mul3A_113 : i32
      %add3A_115 = arith.constant 240 : i32
      %add3A_116 = arith.addi %mul3A_114, %add3A_115 : i32
      "tpu.region"() ({
        %run_scoped3A = tpu.sem_alloc : memref<!tpu.dma_semaphore, #tpu.memory_space<semaphore_mem>>
        %dma_start3A_138 = arith.constant 0 : i32
        %dma_start3A_139 = arith.constant 0 : i32
        %dma_start3A_140 = tpu.memref_slice %arg8[%dma_start3A_138, %dma_start3A_139] : memref<80x128xf32, #tpu.memory_space<vmem>> -> memref<80x128xf32, #tpu.memory_space<vmem>>
        %dma_start3A_141 = arith.constant 0 : i32
        %dma_start3A_142 = tpu.memref_slice %arg11[%add3A_116, %dma_start3A_141] : memref<10000x128xf32, #tpu.memory_space<vmem_shared>> -> memref<80x128xf32, #tpu.memory_space<vmem_shared>>
        %dma_start3A_143 = arith.constant 0 : i32
        %dma_start3A_144 = tpu.memref_slice %arg11[%add3A_116, %dma_start3A_143] : memref<10000x128xf32, #tpu.memory_space<vmem_shared>> -> memref<80x128xf32, #tpu.memory_space<vmem_shared>>
        %dma_start3A_145 = arith.constant 0 : i32
        %dma_start3A_146 = arith.constant 0 : i32
        %dma_start3A_147 = tpu.memref_slice %arg8[%dma_start3A_145, %dma_start3A_146] : memref<80x128xf32, #tpu.memory_space<vmem>> -> memref<80x128xf32, #tpu.memory_space<vmem>>
        tpu.enqueue_dma source(%dma_start3A_147 : memref<80x128xf32, #tpu.memory_space<vmem>>) target(%dma_start3A_144 : memref<80x128xf32, #tpu.memory_space<vmem_shared>>) target_semaphore(%run_scoped3A : memref<!tpu.dma_semaphore, #tpu.memory_space<semaphore_mem>>)
        %dma_wait3A_148 = arith.constant 0 : i32
        %dma_wait3A_149 = arith.constant 0 : i32
        %dma_wait3A_150 = tpu.memref_slice %arg8[%dma_wait3A_148, %dma_wait3A_149] : memref<80x128xf32, #tpu.memory_space<vmem>> -> memref<80x128xf32, #tpu.memory_space<vmem>>
        %dma_wait3A_151 = arith.constant 0 : i32
        %dma_wait3A_152 = tpu.memref_slice %arg11[%add3A_116, %dma_wait3A_151] : memref<10000x128xf32, #tpu.memory_space<vmem_shared>> -> memref<80x128xf32, #tpu.memory_space<vmem_shared>>
        %dma_wait3A_153 = arith.constant 0 : i32
        %dma_wait3A_154 = tpu.memref_slice %arg11[%add3A_116, %dma_wait3A_153] : memref<10000x128xf32, #tpu.memory_space<vmem_shared>> -> memref<80x128xf32, #tpu.memory_space<vmem_shared>>
        %dma_wait3A_155 = arith.constant 0 : i32
        %dma_wait3A_156 = arith.constant 0 : i32
        %dma_wait3A_157 = tpu.memref_slice %arg8[%dma_wait3A_155, %dma_wait3A_156] : memref<80x128xf32, #tpu.memory_space<vmem>> -> memref<80x128xf32, #tpu.memory_space<vmem>>
        tpu.wait_dma2 semaphore(%run_scoped3A : memref<!tpu.dma_semaphore, #tpu.memory_space<semaphore_mem>>) src(%dma_wait3A_157 : memref<80x128xf32, #tpu.memory_space<vmem>>) dst(%dma_wait3A_154 : memref<80x128xf32, #tpu.memory_space<vmem_shared>>)
        tpu.yield
      }) : () -> ()
      %mul3A_117 = arith.constant 624 : i32
      %mul3A_118 = arith.muli %arg1, %mul3A_117 : i32
      %add3A_119 = arith.constant 320 : i32
      %add3A_120 = arith.addi %mul3A_118, %add3A_119 : i32
      "tpu.region"() ({
        %run_scoped3A = tpu.sem_alloc : memref<!tpu.dma_semaphore, #tpu.memory_space<semaphore_mem>>
        %dma_start3A_138 = arith.constant 0 : i32
        %dma_start3A_139 = arith.constant 0 : i32
        %dma_start3A_140 = tpu.memref_slice %arg8[%dma_start3A_138, %dma_start3A_139] : memref<80x128xf32, #tpu.memory_space<vmem>> -> memref<80x128xf32, #tpu.memory_space<vmem>>
        %dma_start3A_141 = arith.constant 0 : i32
        %dma_start3A_142 = tpu.memref_slice %arg11[%add3A_120, %dma_start3A_141] : memref<10000x128xf32, #tpu.memory_space<vmem_shared>> -> memref<80x128xf32, #tpu.memory_space<vmem_shared>>
        %dma_start3A_143 = arith.constant 0 : i32
        %dma_start3A_144 = tpu.memref_slice %arg11[%add3A_120, %dma_start3A_143] : memref<10000x128xf32, #tpu.memory_space<vmem_shared>> -> memref<80x128xf32, #tpu.memory_space<vmem_shared>>
        %dma_start3A_145 = arith.constant 0 : i32
        %dma_start3A_146 = arith.constant 0 : i32
        %dma_start3A_147 = tpu.memref_slice %arg8[%dma_start3A_145, %dma_start3A_146] : memref<80x128xf32, #tpu.memory_space<vmem>> -> memref<80x128xf32, #tpu.memory_space<vmem>>
        tpu.enqueue_dma source(%dma_start3A_147 : memref<80x128xf32, #tpu.memory_space<vmem>>) target(%dma_start3A_144 : memref<80x128xf32, #tpu.memory_space<vmem_shared>>) target_semaphore(%run_scoped3A : memref<!tpu.dma_semaphore, #tpu.memory_space<semaphore_mem>>)
        %dma_wait3A_148 = arith.constant 0 : i32
        %dma_wait3A_149 = arith.constant 0 : i32
        %dma_wait3A_150 = tpu.memref_slice %arg8[%dma_wait3A_148, %dma_wait3A_149] : memref<80x128xf32, #tpu.memory_space<vmem>> -> memref<80x128xf32, #tpu.memory_space<vmem>>
        %dma_wait3A_151 = arith.constant 0 : i32
        %dma_wait3A_152 = tpu.memref_slice %arg11[%add3A_120, %dma_wait3A_151] : memref<10000x128xf32, #tpu.memory_space<vmem_shared>> -> memref<80x128xf32, #tpu.memory_space<vmem_shared>>
        %dma_wait3A_153 = arith.constant 0 : i32
        %dma_wait3A_154 = tpu.memref_slice %arg11[%add3A_120, %dma_wait3A_153] : memref<10000x128xf32, #tpu.memory_space<vmem_shared>> -> memref<80x128xf32, #tpu.memory_space<vmem_shared>>
        %dma_wait3A_155 = arith.constant 0 : i32
        %dma_wait3A_156 = arith.constant 0 : i32
        %dma_wait3A_157 = tpu.memref_slice %arg8[%dma_wait3A_155, %dma_wait3A_156] : memref<80x128xf32, #tpu.memory_space<vmem>> -> memref<80x128xf32, #tpu.memory_space<vmem>>
        tpu.wait_dma2 semaphore(%run_scoped3A : memref<!tpu.dma_semaphore, #tpu.memory_space<semaphore_mem>>) src(%dma_wait3A_157 : memref<80x128xf32, #tpu.memory_space<vmem>>) dst(%dma_wait3A_154 : memref<80x128xf32, #tpu.memory_space<vmem_shared>>)
        tpu.yield
      }) : () -> ()
      %mul3A_121 = arith.constant 624 : i32
      %mul3A_122 = arith.muli %arg1, %mul3A_121 : i32
      %add3A_123 = arith.constant 400 : i32
      %add3A_124 = arith.addi %mul3A_122, %add3A_123 : i32
      "tpu.region"() ({
        %run_scoped3A = tpu.sem_alloc : memref<!tpu.dma_semaphore, #tpu.memory_space<semaphore_mem>>
        %dma_start3A_138 = arith.constant 0 : i32
        %dma_start3A_139 = arith.constant 0 : i32
        %dma_start3A_140 = tpu.memref_slice %arg8[%dma_start3A_138, %dma_start3A_139] : memref<80x128xf32, #tpu.memory_space<vmem>> -> memref<80x128xf32, #tpu.memory_space<vmem>>
        %dma_start3A_141 = arith.constant 0 : i32
        %dma_start3A_142 = tpu.memref_slice %arg11[%add3A_124, %dma_start3A_141] : memref<10000x128xf32, #tpu.memory_space<vmem_shared>> -> memref<80x128xf32, #tpu.memory_space<vmem_shared>>
        %dma_start3A_143 = arith.constant 0 : i32
        %dma_start3A_144 = tpu.memref_slice %arg11[%add3A_124, %dma_start3A_143] : memref<10000x128xf32, #tpu.memory_space<vmem_shared>> -> memref<80x128xf32, #tpu.memory_space<vmem_shared>>
        %dma_start3A_145 = arith.constant 0 : i32
        %dma_start3A_146 = arith.constant 0 : i32
        %dma_start3A_147 = tpu.memref_slice %arg8[%dma_start3A_145, %dma_start3A_146] : memref<80x128xf32, #tpu.memory_space<vmem>> -> memref<80x128xf32, #tpu.memory_space<vmem>>
        tpu.enqueue_dma source(%dma_start3A_147 : memref<80x128xf32, #tpu.memory_space<vmem>>) target(%dma_start3A_144 : memref<80x128xf32, #tpu.memory_space<vmem_shared>>) target_semaphore(%run_scoped3A : memref<!tpu.dma_semaphore, #tpu.memory_space<semaphore_mem>>)
        %dma_wait3A_148 = arith.constant 0 : i32
        %dma_wait3A_149 = arith.constant 0 : i32
        %dma_wait3A_150 = tpu.memref_slice %arg8[%dma_wait3A_148, %dma_wait3A_149] : memref<80x128xf32, #tpu.memory_space<vmem>> -> memref<80x128xf32, #tpu.memory_space<vmem>>
        %dma_wait3A_151 = arith.constant 0 : i32
        %dma_wait3A_152 = tpu.memref_slice %arg11[%add3A_124, %dma_wait3A_151] : memref<10000x128xf32, #tpu.memory_space<vmem_shared>> -> memref<80x128xf32, #tpu.memory_space<vmem_shared>>
        %dma_wait3A_153 = arith.constant 0 : i32
        %dma_wait3A_154 = tpu.memref_slice %arg11[%add3A_124, %dma_wait3A_153] : memref<10000x128xf32, #tpu.memory_space<vmem_shared>> -> memref<80x128xf32, #tpu.memory_space<vmem_shared>>
        %dma_wait3A_155 = arith.constant 0 : i32
        %dma_wait3A_156 = arith.constant 0 : i32
        %dma_wait3A_157 = tpu.memref_slice %arg8[%dma_wait3A_155, %dma_wait3A_156] : memref<80x128xf32, #tpu.memory_space<vmem>> -> memref<80x128xf32, #tpu.memory_space<vmem>>
        tpu.wait_dma2 semaphore(%run_scoped3A : memref<!tpu.dma_semaphore, #tpu.memory_space<semaphore_mem>>) src(%dma_wait3A_157 : memref<80x128xf32, #tpu.memory_space<vmem>>) dst(%dma_wait3A_154 : memref<80x128xf32, #tpu.memory_space<vmem_shared>>)
        tpu.yield
      }) : () -> ()
      %mul3A_125 = arith.constant 624 : i32
      %mul3A_126 = arith.muli %arg1, %mul3A_125 : i32
      %add3A_127 = arith.constant 480 : i32
      %add3A_128 = arith.addi %mul3A_126, %add3A_127 : i32
      "tpu.region"() ({
        %run_scoped3A = tpu.sem_alloc : memref<!tpu.dma_semaphore, #tpu.memory_space<semaphore_mem>>
        %dma_start3A_138 = arith.constant 0 : i32
        %dma_start3A_139 = arith.constant 0 : i32
        %dma_start3A_140 = tpu.memref_slice %arg8[%dma_start3A_138, %dma_start3A_139] : memref<80x128xf32, #tpu.memory_space<vmem>> -> memref<80x128xf32, #tpu.memory_space<vmem>>
        %dma_start3A_141 = arith.constant 0 : i32
        %dma_start3A_142 = tpu.memref_slice %arg11[%add3A_128, %dma_start3A_141] : memref<10000x128xf32, #tpu.memory_space<vmem_shared>> -> memref<80x128xf32, #tpu.memory_space<vmem_shared>>
        %dma_start3A_143 = arith.constant 0 : i32
        %dma_start3A_144 = tpu.memref_slice %arg11[%add3A_128, %dma_start3A_143] : memref<10000x128xf32, #tpu.memory_space<vmem_shared>> -> memref<80x128xf32, #tpu.memory_space<vmem_shared>>
        %dma_start3A_145 = arith.constant 0 : i32
        %dma_start3A_146 = arith.constant 0 : i32
        %dma_start3A_147 = tpu.memref_slice %arg8[%dma_start3A_145, %dma_start3A_146] : memref<80x128xf32, #tpu.memory_space<vmem>> -> memref<80x128xf32, #tpu.memory_space<vmem>>
        tpu.enqueue_dma source(%dma_start3A_147 : memref<80x128xf32, #tpu.memory_space<vmem>>) target(%dma_start3A_144 : memref<80x128xf32, #tpu.memory_space<vmem_shared>>) target_semaphore(%run_scoped3A : memref<!tpu.dma_semaphore, #tpu.memory_space<semaphore_mem>>)
        %dma_wait3A_148 = arith.constant 0 : i32
        %dma_wait3A_149 = arith.constant 0 : i32
        %dma_wait3A_150 = tpu.memref_slice %arg8[%dma_wait3A_148, %dma_wait3A_149] : memref<80x128xf32, #tpu.memory_space<vmem>> -> memref<80x128xf32, #tpu.memory_space<vmem>>
        %dma_wait3A_151 = arith.constant 0 : i32
        %dma_wait3A_152 = tpu.memref_slice %arg11[%add3A_128, %dma_wait3A_151] : memref<10000x128xf32, #tpu.memory_space<vmem_shared>> -> memref<80x128xf32, #tpu.memory_space<vmem_shared>>
        %dma_wait3A_153 = arith.constant 0 : i32
        %dma_wait3A_154 = tpu.memref_slice %arg11[%add3A_128, %dma_wait3A_153] : memref<10000x128xf32, #tpu.memory_space<vmem_shared>> -> memref<80x128xf32, #tpu.memory_space<vmem_shared>>
        %dma_wait3A_155 = arith.constant 0 : i32
        %dma_wait3A_156 = arith.constant 0 : i32
        %dma_wait3A_157 = tpu.memref_slice %arg8[%dma_wait3A_155, %dma_wait3A_156] : memref<80x128xf32, #tpu.memory_space<vmem>> -> memref<80x128xf32, #tpu.memory_space<vmem>>
        tpu.wait_dma2 semaphore(%run_scoped3A : memref<!tpu.dma_semaphore, #tpu.memory_space<semaphore_mem>>) src(%dma_wait3A_157 : memref<80x128xf32, #tpu.memory_space<vmem>>) dst(%dma_wait3A_154 : memref<80x128xf32, #tpu.memory_space<vmem_shared>>)
        tpu.yield
      }) : () -> ()
      %mul3A_129 = arith.constant 624 : i32
      %mul3A_130 = arith.muli %arg1, %mul3A_129 : i32
      %add3A_131 = arith.constant 560 : i32
      %add3A_132 = arith.addi %mul3A_130, %add3A_131 : i32
      "tpu.region"() ({
        %run_scoped3A = tpu.sem_alloc : memref<!tpu.dma_semaphore, #tpu.memory_space<semaphore_mem>>
        %dma_start3A_138 = arith.constant 0 : i32
        %dma_start3A_139 = arith.constant 0 : i32
        %dma_start3A_140 = tpu.memref_slice %arg8[%dma_start3A_138, %dma_start3A_139] : memref<80x128xf32, #tpu.memory_space<vmem>> -> memref<64x128xf32, #tpu.memory_space<vmem>>
        %dma_start3A_141 = arith.constant 0 : i32
        %dma_start3A_142 = tpu.memref_slice %arg11[%add3A_132, %dma_start3A_141] : memref<10000x128xf32, #tpu.memory_space<vmem_shared>> -> memref<64x128xf32, #tpu.memory_space<vmem_shared>>
        %dma_start3A_143 = arith.constant 0 : i32
        %dma_start3A_144 = tpu.memref_slice %arg11[%add3A_132, %dma_start3A_143] : memref<10000x128xf32, #tpu.memory_space<vmem_shared>> -> memref<64x128xf32, #tpu.memory_space<vmem_shared>>
        %dma_start3A_145 = arith.constant 0 : i32
        %dma_start3A_146 = arith.constant 0 : i32
        %dma_start3A_147 = tpu.memref_slice %arg8[%dma_start3A_145, %dma_start3A_146] : memref<80x128xf32, #tpu.memory_space<vmem>> -> memref<64x128xf32, #tpu.memory_space<vmem>>
        tpu.enqueue_dma source(%dma_start3A_147 : memref<64x128xf32, #tpu.memory_space<vmem>>) target(%dma_start3A_144 : memref<64x128xf32, #tpu.memory_space<vmem_shared>>) target_semaphore(%run_scoped3A : memref<!tpu.dma_semaphore, #tpu.memory_space<semaphore_mem>>)
        %dma_wait3A_148 = arith.constant 0 : i32
        %dma_wait3A_149 = arith.constant 0 : i32
        %dma_wait3A_150 = tpu.memref_slice %arg8[%dma_wait3A_148, %dma_wait3A_149] : memref<80x128xf32, #tpu.memory_space<vmem>> -> memref<64x128xf32, #tpu.memory_space<vmem>>
        %dma_wait3A_151 = arith.constant 0 : i32
        %dma_wait3A_152 = tpu.memref_slice %arg11[%add3A_132, %dma_wait3A_151] : memref<10000x128xf32, #tpu.memory_space<vmem_shared>> -> memref<64x128xf32, #tpu.memory_space<vmem_shared>>
        %dma_wait3A_153 = arith.constant 0 : i32
        %dma_wait3A_154 = tpu.memref_slice %arg11[%add3A_132, %dma_wait3A_153] : memref<10000x128xf32, #tpu.memory_space<vmem_shared>> -> memref<64x128xf32, #tpu.memory_space<vmem_shared>>
        %dma_wait3A_155 = arith.constant 0 : i32
        %dma_wait3A_156 = arith.constant 0 : i32
        %dma_wait3A_157 = tpu.memref_slice %arg8[%dma_wait3A_155, %dma_wait3A_156] : memref<80x128xf32, #tpu.memory_space<vmem>> -> memref<64x128xf32, #tpu.memory_space<vmem>>
        tpu.wait_dma2 semaphore(%run_scoped3A : memref<!tpu.dma_semaphore, #tpu.memory_space<semaphore_mem>>) src(%dma_wait3A_157 : memref<64x128xf32, #tpu.memory_space<vmem>>) dst(%dma_wait3A_154 : memref<64x128xf32, #tpu.memory_space<vmem_shared>>)
        tpu.yield
      }) : () -> ()
      %eq3A_133 = arith.constant 0 : i32
      %eq3A_134 = arith.cmpi eq, %arg1, %eq3A_133 : i32
      %convert_element_type3A_135 = arith.extui %eq3A_134 : i1 to i32
      %cond3A_136 = arith.constant 0 : i32
      %cond3A_137 = arith.cmpi ne, %convert_element_type3A_135, %cond3A_136 : i32
      scf.if %cond3A_137 {
        "tpu.region"() ({
          %run_scoped3A = tpu.sem_alloc : memref<!tpu.dma_semaphore, #tpu.memory_space<semaphore_mem>>
          %dma_start3A_138 = arith.constant 0 : i32
          %dma_start3A_139 = arith.constant 0 : i32
          %dma_start3A_140 = tpu.memref_slice %arg8[%dma_start3A_138, %dma_start3A_139] : memref<80x128xf32, #tpu.memory_space<vmem>> -> memref<16x128xf32, #tpu.memory_space<vmem>>
          %dma_start3A_141 = arith.constant 9984 : i32
          %dma_start3A_142 = arith.constant 0 : i32
          %dma_start3A_143 = tpu.memref_slice %arg11[%dma_start3A_141, %dma_start3A_142] : memref<10000x128xf32, #tpu.memory_space<vmem_shared>> -> memref<16x128xf32, #tpu.memory_space<vmem_shared>>
          %dma_start3A_144 = arith.constant 9984 : i32
          %dma_start3A_145 = arith.constant 0 : i32
          %dma_start3A_146 = tpu.memref_slice %arg11[%dma_start3A_144, %dma_start3A_145] : memref<10000x128xf32, #tpu.memory_space<vmem_shared>> -> memref<16x128xf32, #tpu.memory_space<vmem_shared>>
          %dma_start3A_147 = arith.constant 0 : i32
          %dma_start3A_148 = arith.constant 0 : i32
          %dma_start3A_149 = tpu.memref_slice %arg8[%dma_start3A_147, %dma_start3A_148] : memref<80x128xf32, #tpu.memory_space<vmem>> -> memref<16x128xf32, #tpu.memory_space<vmem>>
          tpu.enqueue_dma source(%dma_start3A_149 : memref<16x128xf32, #tpu.memory_space<vmem>>) target(%dma_start3A_146 : memref<16x128xf32, #tpu.memory_space<vmem_shared>>) target_semaphore(%run_scoped3A : memref<!tpu.dma_semaphore, #tpu.memory_space<semaphore_mem>>)
          %dma_wait3A_150 = arith.constant 0 : i32
          %dma_wait3A_151 = arith.constant 0 : i32
          %dma_wait3A_152 = tpu.memref_slice %arg8[%dma_wait3A_150, %dma_wait3A_151] : memref<80x128xf32, #tpu.memory_space<vmem>> -> memref<16x128xf32, #tpu.memory_space<vmem>>
          %dma_wait3A_153 = arith.constant 9984 : i32
          %dma_wait3A_154 = arith.constant 0 : i32
          %dma_wait3A_155 = tpu.memref_slice %arg11[%dma_wait3A_153, %dma_wait3A_154] : memref<10000x128xf32, #tpu.memory_space<vmem_shared>> -> memref<16x128xf32, #tpu.memory_space<vmem_shared>>
          %dma_wait3A_156 = arith.constant 9984 : i32
          %dma_wait3A_157 = arith.constant 0 : i32
          %dma_wait3A_158 = tpu.memref_slice %arg11[%dma_wait3A_156, %dma_wait3A_157] : memref<10000x128xf32, #tpu.memory_space<vmem_shared>> -> memref<16x128xf32, #tpu.memory_space<vmem_shared>>
          %dma_wait3A_159 = arith.constant 0 : i32
          %dma_wait3A_160 = arith.constant 0 : i32
          %dma_wait3A_161 = tpu.memref_slice %arg8[%dma_wait3A_159, %dma_wait3A_160] : memref<80x128xf32, #tpu.memory_space<vmem>> -> memref<16x128xf32, #tpu.memory_space<vmem>>
          tpu.wait_dma2 semaphore(%run_scoped3A : memref<!tpu.dma_semaphore, #tpu.memory_space<semaphore_mem>>) src(%dma_wait3A_161 : memref<16x128xf32, #tpu.memory_space<vmem>>) dst(%dma_wait3A_158 : memref<16x128xf32, #tpu.memory_space<vmem_shared>>)
          tpu.yield
        }) : () -> ()
      } else {
      }
    } else {
    }
    %dma_start3A = arith.constant 0 : i32
    %dma_start3A_12 = tpu.memref_slice %arg6[%dma_start3A] : memref<10000xi32, #tpu.memory_space<vmem>> -> memref<80xi32, #tpu.memory_space<vmem>>
    %dma_start3A_13 = arith.constant 0 : i32
    %dma_start3A_14 = arith.constant 0 : i32
    %dma_start3A_15 = tpu.memref_slice %arg2[%dma_start3A_13, %dma_start3A_14] : memref<10000x128xf32, #tpu.memory_space<hbm>> -> memref<10000x128xf32, #tpu.memory_space<hbm>>
    tpu.enqueue_indirect_dma source(%dma_start3A_15 : memref<10000x128xf32, #tpu.memory_space<hbm>>) target(%arg8 : memref<80x128xf32, #tpu.memory_space<vmem>>) offsets(%dma_start3A_12 : memref<80xi32, #tpu.memory_space<vmem>>) semaphore(%arg12 : memref<!tpu.dma_semaphore, #tpu.memory_space<semaphore_mem>>)
    %dma_start3A_16 = arith.constant 80 : i32
    %dma_start3A_17 = tpu.memref_slice %arg6[%dma_start3A_16] : memref<10000xi32, #tpu.memory_space<vmem>> -> memref<80xi32, #tpu.memory_space<vmem>>
    %dma_start3A_18 = arith.constant 0 : i32
    %dma_start3A_19 = arith.constant 0 : i32
    %dma_start3A_20 = tpu.memref_slice %arg2[%dma_start3A_18, %dma_start3A_19] : memref<10000x128xf32, #tpu.memory_space<hbm>> -> memref<10000x128xf32, #tpu.memory_space<hbm>>
    tpu.enqueue_indirect_dma source(%dma_start3A_20 : memref<10000x128xf32, #tpu.memory_space<hbm>>) target(%arg9 : memref<80x128xf32, #tpu.memory_space<vmem>>) offsets(%dma_start3A_17 : memref<80xi32, #tpu.memory_space<vmem>>) semaphore(%arg13 : memref<!tpu.dma_semaphore, #tpu.memory_space<semaphore_mem>>)
    %dma_start3A_21 = arith.constant 9840 : i32
    %dma_start3A_22 = tpu.memref_slice %arg6[%dma_start3A_21] : memref<10000xi32, #tpu.memory_space<vmem>> -> memref<80xi32, #tpu.memory_space<vmem>>
    %dma_start3A_23 = arith.constant 0 : i32
    %dma_start3A_24 = arith.constant 0 : i32
    %dma_start3A_25 = tpu.memref_slice %arg2[%dma_start3A_23, %dma_start3A_24] : memref<10000x128xf32, #tpu.memory_space<hbm>> -> memref<10000x128xf32, #tpu.memory_space<hbm>>
    tpu.enqueue_indirect_dma source(%dma_start3A_25 : memref<10000x128xf32, #tpu.memory_space<hbm>>) target(%arg10 : memref<80x128xf32, #tpu.memory_space<vmem>>) offsets(%dma_start3A_22 : memref<80xi32, #tpu.memory_space<vmem>>) semaphore(%arg14 : memref<!tpu.dma_semaphore, #tpu.memory_space<semaphore_mem>>)
    %barrier3A = arith.constant 0 : index
    tpu.barrier barrier_id(%barrier3A)
    %dma_wait3A = arith.constant 9840 : i32
    %dma_wait3A_26 = tpu.memref_slice %arg6[%dma_wait3A] : memref<10000xi32, #tpu.memory_space<vmem>> -> memref<80xi32, #tpu.memory_space<vmem>>
    %dma_wait3A_27 = arith.constant 0 : i32
    %dma_wait3A_28 = arith.constant 0 : i32
    %dma_wait3A_29 = tpu.memref_slice %arg2[%dma_wait3A_27, %dma_wait3A_28] : memref<10000x128xf32, #tpu.memory_space<hbm>> -> memref<10000x128xf32, #tpu.memory_space<hbm>>
    tpu.wait_indirect_dma semaphore(%arg14 : memref<!tpu.dma_semaphore, #tpu.memory_space<semaphore_mem>>) src(%dma_wait3A_29 : memref<10000x128xf32, #tpu.memory_space<hbm>>) dst(%arg10 : memref<80x128xf32, #tpu.memory_space<vmem>>)
    %dma_start3A_30 = arith.constant 9840 : i32
    %dma_start3A_31 = tpu.memref_slice %arg7[%dma_start3A_30] : memref<10000xi32, #tpu.memory_space<vmem>> -> memref<80xi32, #tpu.memory_space<vmem>>
    %dma_start3A_32 = arith.constant 0 : i32
    %dma_start3A_33 = arith.constant 0 : i32
    %dma_start3A_34 = tpu.memref_slice %arg11[%dma_start3A_32, %dma_start3A_33] : memref<10000x128xf32, #tpu.memory_space<vmem_shared>> -> memref<10000x128xf32, #tpu.memory_space<vmem_shared>>
    tpu.enqueue_indirect_dma source(%arg10 : memref<80x128xf32, #tpu.memory_space<vmem>>) target(%dma_start3A_34 : memref<10000x128xf32, #tpu.memory_space<vmem_shared>>) offsets(%dma_start3A_31 : memref<80xi32, #tpu.memory_space<vmem>>) semaphore(%arg17 : memref<!tpu.dma_semaphore, #tpu.memory_space<semaphore_mem>>) {add = true}
    %dma_wait3A_35 = arith.constant 9840 : i32
    %dma_wait3A_36 = tpu.memref_slice %arg7[%dma_wait3A_35] : memref<10000xi32, #tpu.memory_space<vmem>> -> memref<80xi32, #tpu.memory_space<vmem>>
    %dma_wait3A_37 = arith.constant 0 : i32
    %dma_wait3A_38 = arith.constant 0 : i32
    %dma_wait3A_39 = tpu.memref_slice %arg11[%dma_wait3A_37, %dma_wait3A_38] : memref<10000x128xf32, #tpu.memory_space<vmem_shared>> -> memref<10000x128xf32, #tpu.memory_space<vmem_shared>>
    tpu.wait_indirect_dma semaphore(%arg17 : memref<!tpu.dma_semaphore, #tpu.memory_space<semaphore_mem>>) src(%arg10 : memref<80x128xf32, #tpu.memory_space<vmem>>) dst(%dma_wait3A_39 : memref<10000x128xf32, #tpu.memory_space<vmem_shared>>)
    %dma_start3A_40 = arith.constant 9920 : i32
    %dma_start3A_41 = tpu.memref_slice %arg6[%dma_start3A_40] : memref<10000xi32, #tpu.memory_space<vmem>> -> memref<80xi32, #tpu.memory_space<vmem>>
    %dma_start3A_42 = arith.constant 0 : i32
    %dma_start3A_43 = arith.constant 0 : i32
    %dma_start3A_44 = tpu.memref_slice %arg2[%dma_start3A_42, %dma_start3A_43] : memref<10000x128xf32, #tpu.memory_space<hbm>> -> memref<10000x128xf32, #tpu.memory_space<hbm>>
    tpu.enqueue_indirect_dma source(%dma_start3A_44 : memref<10000x128xf32, #tpu.memory_space<hbm>>) target(%arg10 : memref<80x128xf32, #tpu.memory_space<vmem>>) offsets(%dma_start3A_41 : memref<80xi32, #tpu.memory_space<vmem>>) semaphore(%arg14 : memref<!tpu.dma_semaphore, #tpu.memory_space<semaphore_mem>>)
    %dma_wait3A_45 = arith.constant 9920 : i32
    %dma_wait3A_46 = tpu.memref_slice %arg6[%dma_wait3A_45] : memref<10000xi32, #tpu.memory_space<vmem>> -> memref<80xi32, #tpu.memory_space<vmem>>
    %dma_wait3A_47 = arith.constant 0 : i32
    %dma_wait3A_48 = arith.constant 0 : i32
    %dma_wait3A_49 = tpu.memref_slice %arg2[%dma_wait3A_47, %dma_wait3A_48] : memref<10000x128xf32, #tpu.memory_space<hbm>> -> memref<10000x128xf32, #tpu.memory_space<hbm>>
    tpu.wait_indirect_dma semaphore(%arg14 : memref<!tpu.dma_semaphore, #tpu.memory_space<semaphore_mem>>) src(%dma_wait3A_49 : memref<10000x128xf32, #tpu.memory_space<hbm>>) dst(%arg10 : memref<80x128xf32, #tpu.memory_space<vmem>>)
    %dma_start3A_50 = arith.constant 9920 : i32
    %dma_start3A_51 = tpu.memref_slice %arg7[%dma_start3A_50] : memref<10000xi32, #tpu.memory_space<vmem>> -> memref<80xi32, #tpu.memory_space<vmem>>
    %dma_start3A_52 = arith.constant 0 : i32
    %dma_start3A_53 = arith.constant 0 : i32
    %dma_start3A_54 = tpu.memref_slice %arg11[%dma_start3A_52, %dma_start3A_53] : memref<10000x128xf32, #tpu.memory_space<vmem_shared>> -> memref<10000x128xf32, #tpu.memory_space<vmem_shared>>
    tpu.enqueue_indirect_dma source(%arg10 : memref<80x128xf32, #tpu.memory_space<vmem>>) target(%dma_start3A_54 : memref<10000x128xf32, #tpu.memory_space<vmem_shared>>) offsets(%dma_start3A_51 : memref<80xi32, #tpu.memory_space<vmem>>) semaphore(%arg17 : memref<!tpu.dma_semaphore, #tpu.memory_space<semaphore_mem>>) {add = true}
    %dma_wait3A_55 = arith.constant 9920 : i32
    %dma_wait3A_56 = tpu.memref_slice %arg7[%dma_wait3A_55] : memref<10000xi32, #tpu.memory_space<vmem>> -> memref<80xi32, #tpu.memory_space<vmem>>
    %dma_wait3A_57 = arith.constant 0 : i32
    %dma_wait3A_58 = arith.constant 0 : i32
    %dma_wait3A_59 = tpu.memref_slice %arg11[%dma_wait3A_57, %dma_wait3A_58] : memref<10000x128xf32, #tpu.memory_space<vmem_shared>> -> memref<10000x128xf32, #tpu.memory_space<vmem_shared>>
    tpu.wait_indirect_dma semaphore(%arg17 : memref<!tpu.dma_semaphore, #tpu.memory_space<semaphore_mem>>) src(%arg10 : memref<80x128xf32, #tpu.memory_space<vmem>>) dst(%dma_wait3A_59 : memref<10000x128xf32, #tpu.memory_space<vmem_shared>>)
    %dma_start3A_60 = arith.constant 160 : i32
    %dma_start3A_61 = tpu.memref_slice %arg6[%dma_start3A_60] : memref<10000xi32, #tpu.memory_space<vmem>> -> memref<80xi32, #tpu.memory_space<vmem>>
    %dma_start3A_62 = arith.constant 0 : i32
    %dma_start3A_63 = arith.constant 0 : i32
    %dma_start3A_64 = tpu.memref_slice %arg2[%dma_start3A_62, %dma_start3A_63] : memref<10000x128xf32, #tpu.memory_space<hbm>> -> memref<10000x128xf32, #tpu.memory_space<hbm>>
    tpu.enqueue_indirect_dma source(%dma_start3A_64 : memref<10000x128xf32, #tpu.memory_space<hbm>>) target(%arg10 : memref<80x128xf32, #tpu.memory_space<vmem>>) offsets(%dma_start3A_61 : memref<80xi32, #tpu.memory_space<vmem>>) semaphore(%arg14 : memref<!tpu.dma_semaphore, #tpu.memory_space<semaphore_mem>>)
    %scan3A = arith.constant 0 : i32
    %scan3A_65 = arith.constant 0 : i32
    %scan3A_66 = arith.constant 41 : i32
    %scan3A_67 = arith.addi %scan3A_65, %scan3A_66 : i32
    %scan3A_68 = arith.constant 1 : i32
    scf.for %scan3A_95 = %scan3A_65 to %scan3A_67 step %scan3A_68  : i32 {
      %mul3A_96 = arith.constant 3 : i32
      %mul3A_97 = arith.muli %mul3A_96, %scan3A_95 : i32
      %add3A_98 = arith.constant 0 : i32
      %add3A_99 = arith.addi %mul3A_97, %add3A_98 : i32
      %add3A_100 = arith.constant 3 : i32
      %add3A_101 = arith.addi %add3A_99, %add3A_100 : i32
      %ge3A = arith.constant 123 : i32
      %ge3A_102 = arith.cmpi sge, %add3A_101, %ge3A : i32
      %add3A_103 = arith.constant 3 : i32
      %add3A_104 = arith.addi %add3A_99, %add3A_103 : i32
      %jit3A = arith.constant 0 : i32
      %select_n3A = arith.select %ge3A_102, %jit3A, %add3A_104 : i32
      %mul3A_105 = arith.constant 80 : i32
      %mul3A_106 = arith.muli %add3A_99, %mul3A_105 : i32
      %dma_wait3A_107 = tpu.memref_slice %arg6[%mul3A_106] : memref<10000xi32, #tpu.memory_space<vmem>> -> memref<80xi32, #tpu.memory_space<vmem>>
      %dma_wait3A_108 = arith.constant 0 : i32
      %dma_wait3A_109 = arith.constant 0 : i32
      %dma_wait3A_110 = tpu.memref_slice %arg2[%dma_wait3A_108, %dma_wait3A_109] : memref<10000x128xf32, #tpu.memory_space<hbm>> -> memref<10000x128xf32, #tpu.memory_space<hbm>>
      tpu.wait_indirect_dma semaphore(%arg12 : memref<!tpu.dma_semaphore, #tpu.memory_space<semaphore_mem>>) src(%dma_wait3A_110 : memref<10000x128xf32, #tpu.memory_space<hbm>>) dst(%arg8 : memref<80x128xf32, #tpu.memory_space<vmem>>)
      %mul3A_111 = arith.constant 80 : i32
      %mul3A_112 = arith.muli %add3A_99, %mul3A_111 : i32
      %dma_start3A_113 = tpu.memref_slice %arg7[%mul3A_112] : memref<10000xi32, #tpu.memory_space<vmem>> -> memref<80xi32, #tpu.memory_space<vmem>>
      %dma_start3A_114 = arith.constant 0 : i32
      %dma_start3A_115 = arith.constant 0 : i32
      %dma_start3A_116 = tpu.memref_slice %arg11[%dma_start3A_114, %dma_start3A_115] : memref<10000x128xf32, #tpu.memory_space<vmem_shared>> -> memref<10000x128xf32, #tpu.memory_space<vmem_shared>>
      tpu.enqueue_indirect_dma source(%arg8 : memref<80x128xf32, #tpu.memory_space<vmem>>) target(%dma_start3A_116 : memref<10000x128xf32, #tpu.memory_space<vmem_shared>>) offsets(%dma_start3A_113 : memref<80xi32, #tpu.memory_space<vmem>>) semaphore(%arg15 : memref<!tpu.dma_semaphore, #tpu.memory_space<semaphore_mem>>) {add = true}
      %mul3A_117 = arith.constant 80 : i32
      %mul3A_118 = arith.muli %add3A_99, %mul3A_117 : i32
      %dma_wait3A_119 = tpu.memref_slice %arg7[%mul3A_118] : memref<10000xi32, #tpu.memory_space<vmem>> -> memref<80xi32, #tpu.memory_space<vmem>>
      %dma_wait3A_120 = arith.constant 0 : i32
      %dma_wait3A_121 = arith.constant 0 : i32
      %dma_wait3A_122 = tpu.memref_slice %arg11[%dma_wait3A_120, %dma_wait3A_121] : memref<10000x128xf32, #tpu.memory_space<vmem_shared>> -> memref<10000x128xf32, #tpu.memory_space<vmem_shared>>
      tpu.wait_indirect_dma semaphore(%arg15 : memref<!tpu.dma_semaphore, #tpu.memory_space<semaphore_mem>>) src(%arg8 : memref<80x128xf32, #tpu.memory_space<vmem>>) dst(%dma_wait3A_122 : memref<10000x128xf32, #tpu.memory_space<vmem_shared>>)
      %mul3A_123 = arith.constant 80 : i32
      %mul3A_124 = arith.muli %select_n3A, %mul3A_123 : i32
      %dma_start3A_125 = tpu.memref_slice %arg6[%mul3A_124] : memref<10000xi32, #tpu.memory_space<vmem>> -> memref<80xi32, #tpu.memory_space<vmem>>
      %dma_start3A_126 = arith.constant 0 : i32
      %dma_start3A_127 = arith.constant 0 : i32
      %dma_start3A_128 = tpu.memref_slice %arg2[%dma_start3A_126, %dma_start3A_127] : memref<10000x128xf32, #tpu.memory_space<hbm>> -> memref<10000x128xf32, #tpu.memory_space<hbm>>
      tpu.enqueue_indirect_dma source(%dma_start3A_128 : memref<10000x128xf32, #tpu.memory_space<hbm>>) target(%arg8 : memref<80x128xf32, #tpu.memory_space<vmem>>) offsets(%dma_start3A_125 : memref<80xi32, #tpu.memory_space<vmem>>) semaphore(%arg12 : memref<!tpu.dma_semaphore, #tpu.memory_space<semaphore_mem>>)
      %add3A_129 = arith.constant 1 : i32
      %add3A_130 = arith.addi %mul3A_97, %add3A_129 : i32
      %add3A_131 = arith.constant 3 : i32
      %add3A_132 = arith.addi %add3A_130, %add3A_131 : i32
      %ge3A_133 = arith.constant 123 : i32
      %ge3A_134 = arith.cmpi sge, %add3A_132, %ge3A_133 : i32
      %add3A_135 = arith.constant 3 : i32
      %add3A_136 = arith.addi %add3A_130, %add3A_135 : i32
      %jit3A_137 = arith.constant 1 : i32
      %select_n3A_138 = arith.select %ge3A_134, %jit3A_137, %add3A_136 : i32
      %mul3A_139 = arith.constant 80 : i32
      %mul3A_140 = arith.muli %add3A_130, %mul3A_139 : i32
      %dma_wait3A_141 = tpu.memref_slice %arg6[%mul3A_140] : memref<10000xi32, #tpu.memory_space<vmem>> -> memref<80xi32, #tpu.memory_space<vmem>>
      %dma_wait3A_142 = arith.constant 0 : i32
      %dma_wait3A_143 = arith.constant 0 : i32
      %dma_wait3A_144 = tpu.memref_slice %arg2[%dma_wait3A_142, %dma_wait3A_143] : memref<10000x128xf32, #tpu.memory_space<hbm>> -> memref<10000x128xf32, #tpu.memory_space<hbm>>
      tpu.wait_indirect_dma semaphore(%arg13 : memref<!tpu.dma_semaphore, #tpu.memory_space<semaphore_mem>>) src(%dma_wait3A_144 : memref<10000x128xf32, #tpu.memory_space<hbm>>) dst(%arg9 : memref<80x128xf32, #tpu.memory_space<vmem>>)
      %mul3A_145 = arith.constant 80 : i32
      %mul3A_146 = arith.muli %add3A_130, %mul3A_145 : i32
      %dma_start3A_147 = tpu.memref_slice %arg7[%mul3A_146] : memref<10000xi32, #tpu.memory_space<vmem>> -> memref<80xi32, #tpu.memory_space<vmem>>
      %dma_start3A_148 = arith.constant 0 : i32
      %dma_start3A_149 = arith.constant 0 : i32
      %dma_start3A_150 = tpu.memref_slice %arg11[%dma_start3A_148, %dma_start3A_149] : memref<10000x128xf32, #tpu.memory_space<vmem_shared>> -> memref<10000x128xf32, #tpu.memory_space<vmem_shared>>
      tpu.enqueue_indirect_dma source(%arg9 : memref<80x128xf32, #tpu.memory_space<vmem>>) target(%dma_start3A_150 : memref<10000x128xf32, #tpu.memory_space<vmem_shared>>) offsets(%dma_start3A_147 : memref<80xi32, #tpu.memory_space<vmem>>) semaphore(%arg16 : memref<!tpu.dma_semaphore, #tpu.memory_space<semaphore_mem>>) {add = true}
      %mul3A_151 = arith.constant 80 : i32
      %mul3A_152 = arith.muli %add3A_130, %mul3A_151 : i32
      %dma_wait3A_153 = tpu.memref_slice %arg7[%mul3A_152] : memref<10000xi32, #tpu.memory_space<vmem>> -> memref<80xi32, #tpu.memory_space<vmem>>
      %dma_wait3A_154 = arith.constant 0 : i32
      %dma_wait3A_155 = arith.constant 0 : i32
      %dma_wait3A_156 = tpu.memref_slice %arg11[%dma_wait3A_154, %dma_wait3A_155] : memref<10000x128xf32, #tpu.memory_space<vmem_shared>> -> memref<10000x128xf32, #tpu.memory_space<vmem_shared>>
      tpu.wait_indirect_dma semaphore(%arg16 : memref<!tpu.dma_semaphore, #tpu.memory_space<semaphore_mem>>) src(%arg9 : memref<80x128xf32, #tpu.memory_space<vmem>>) dst(%dma_wait3A_156 : memref<10000x128xf32, #tpu.memory_space<vmem_shared>>)
      %mul3A_157 = arith.constant 80 : i32
      %mul3A_158 = arith.muli %select_n3A_138, %mul3A_157 : i32
      %dma_start3A_159 = tpu.memref_slice %arg6[%mul3A_158] : memref<10000xi32, #tpu.memory_space<vmem>> -> memref<80xi32, #tpu.memory_space<vmem>>
      %dma_start3A_160 = arith.constant 0 : i32
      %dma_start3A_161 = arith.constant 0 : i32
      %dma_start3A_162 = tpu.memref_slice %arg2[%dma_start3A_160, %dma_start3A_161] : memref<10000x128xf32, #tpu.memory_space<hbm>> -> memref<10000x128xf32, #tpu.memory_space<hbm>>
      tpu.enqueue_indirect_dma source(%dma_start3A_162 : memref<10000x128xf32, #tpu.memory_space<hbm>>) target(%arg9 : memref<80x128xf32, #tpu.memory_space<vmem>>) offsets(%dma_start3A_159 : memref<80xi32, #tpu.memory_space<vmem>>) semaphore(%arg13 : memref<!tpu.dma_semaphore, #tpu.memory_space<semaphore_mem>>)
      %add3A_163 = arith.constant 2 : i32
      %add3A_164 = arith.addi %mul3A_97, %add3A_163 : i32
      %add3A_165 = arith.constant 3 : i32
      %add3A_166 = arith.addi %add3A_164, %add3A_165 : i32
      %ge3A_167 = arith.constant 123 : i32
      %ge3A_168 = arith.cmpi sge, %add3A_166, %ge3A_167 : i32
      %add3A_169 = arith.constant 3 : i32
      %add3A_170 = arith.addi %add3A_164, %add3A_169 : i32
      %jit3A_171 = arith.constant 2 : i32
      %select_n3A_172 = arith.select %ge3A_168, %jit3A_171, %add3A_170 : i32
      %mul3A_173 = arith.constant 80 : i32
      %mul3A_174 = arith.muli %add3A_164, %mul3A_173 : i32
      %dma_wait3A_175 = tpu.memref_slice %arg6[%mul3A_174] : memref<10000xi32, #tpu.memory_space<vmem>> -> memref<80xi32, #tpu.memory_space<vmem>>
      %dma_wait3A_176 = arith.constant 0 : i32
      %dma_wait3A_177 = arith.constant 0 : i32
      %dma_wait3A_178 = tpu.memref_slice %arg2[%dma_wait3A_176, %dma_wait3A_177] : memref<10000x128xf32, #tpu.memory_space<hbm>> -> memref<10000x128xf32, #tpu.memory_space<hbm>>
      tpu.wait_indirect_dma semaphore(%arg14 : memref<!tpu.dma_semaphore, #tpu.memory_space<semaphore_mem>>) src(%dma_wait3A_178 : memref<10000x128xf32, #tpu.memory_space<hbm>>) dst(%arg10 : memref<80x128xf32, #tpu.memory_space<vmem>>)
      %mul3A_179 = arith.constant 80 : i32
      %mul3A_180 = arith.muli %add3A_164, %mul3A_179 : i32
      %dma_start3A_181 = tpu.memref_slice %arg7[%mul3A_180] : memref<10000xi32, #tpu.memory_space<vmem>> -> memref<80xi32, #tpu.memory_space<vmem>>
      %dma_start3A_182 = arith.constant 0 : i32
      %dma_start3A_183 = arith.constant 0 : i32
      %dma_start3A_184 = tpu.memref_slice %arg11[%dma_start3A_182, %dma_start3A_183] : memref<10000x128xf32, #tpu.memory_space<vmem_shared>> -> memref<10000x128xf32, #tpu.memory_space<vmem_shared>>
      tpu.enqueue_indirect_dma source(%arg10 : memref<80x128xf32, #tpu.memory_space<vmem>>) target(%dma_start3A_184 : memref<10000x128xf32, #tpu.memory_space<vmem_shared>>) offsets(%dma_start3A_181 : memref<80xi32, #tpu.memory_space<vmem>>) semaphore(%arg17 : memref<!tpu.dma_semaphore, #tpu.memory_space<semaphore_mem>>) {add = true}
      %mul3A_185 = arith.constant 80 : i32
      %mul3A_186 = arith.muli %add3A_164, %mul3A_185 : i32
      %dma_wait3A_187 = tpu.memref_slice %arg7[%mul3A_186] : memref<10000xi32, #tpu.memory_space<vmem>> -> memref<80xi32, #tpu.memory_space<vmem>>
      %dma_wait3A_188 = arith.constant 0 : i32
      %dma_wait3A_189 = arith.constant 0 : i32
      %dma_wait3A_190 = tpu.memref_slice %arg11[%dma_wait3A_188, %dma_wait3A_189] : memref<10000x128xf32, #tpu.memory_space<vmem_shared>> -> memref<10000x128xf32, #tpu.memory_space<vmem_shared>>
      tpu.wait_indirect_dma semaphore(%arg17 : memref<!tpu.dma_semaphore, #tpu.memory_space<semaphore_mem>>) src(%arg10 : memref<80x128xf32, #tpu.memory_space<vmem>>) dst(%dma_wait3A_190 : memref<10000x128xf32, #tpu.memory_space<vmem_shared>>)
      %mul3A_191 = arith.constant 80 : i32
      %mul3A_192 = arith.muli %select_n3A_172, %mul3A_191 : i32
      %dma_start3A_193 = tpu.memref_slice %arg6[%mul3A_192] : memref<10000xi32, #tpu.memory_space<vmem>> -> memref<80xi32, #tpu.memory_space<vmem>>
      %dma_start3A_194 = arith.constant 0 : i32
      %dma_start3A_195 = arith.constant 0 : i32
      %dma_start3A_196 = tpu.memref_slice %arg2[%dma_start3A_194, %dma_start3A_195] : memref<10000x128xf32, #tpu.memory_space<hbm>> -> memref<10000x128xf32, #tpu.memory_space<hbm>>
      tpu.enqueue_indirect_dma source(%dma_start3A_196 : memref<10000x128xf32, #tpu.memory_space<hbm>>) target(%arg10 : memref<80x128xf32, #tpu.memory_space<vmem>>) offsets(%dma_start3A_193 : memref<80xi32, #tpu.memory_space<vmem>>) semaphore(%arg14 : memref<!tpu.dma_semaphore, #tpu.memory_space<semaphore_mem>>)
    }
    %scan3A_69 = arith.constant 41 : i32
    %dma_wait3A_70 = arith.constant 0 : i32
    %dma_wait3A_71 = tpu.memref_slice %arg6[%dma_wait3A_70] : memref<10000xi32, #tpu.memory_space<vmem>> -> memref<80xi32, #tpu.memory_space<vmem>>
    %dma_wait3A_72 = arith.constant 0 : i32
    %dma_wait3A_73 = arith.constant 0 : i32
    %dma_wait3A_74 = tpu.memref_slice %arg2[%dma_wait3A_72, %dma_wait3A_73] : memref<10000x128xf32, #tpu.memory_space<hbm>> -> memref<10000x128xf32, #tpu.memory_space<hbm>>
    tpu.wait_indirect_dma semaphore(%arg12 : memref<!tpu.dma_semaphore, #tpu.memory_space<semaphore_mem>>) src(%dma_wait3A_74 : memref<10000x128xf32, #tpu.memory_space<hbm>>) dst(%arg8 : memref<80x128xf32, #tpu.memory_space<vmem>>)
    %dma_wait3A_75 = arith.constant 80 : i32
    %dma_wait3A_76 = tpu.memref_slice %arg6[%dma_wait3A_75] : memref<10000xi32, #tpu.memory_space<vmem>> -> memref<80xi32, #tpu.memory_space<vmem>>
    %dma_wait3A_77 = arith.constant 0 : i32
    %dma_wait3A_78 = arith.constant 0 : i32
    %dma_wait3A_79 = tpu.memref_slice %arg2[%dma_wait3A_77, %dma_wait3A_78] : memref<10000x128xf32, #tpu.memory_space<hbm>> -> memref<10000x128xf32, #tpu.memory_space<hbm>>
    tpu.wait_indirect_dma semaphore(%arg13 : memref<!tpu.dma_semaphore, #tpu.memory_space<semaphore_mem>>) src(%dma_wait3A_79 : memref<10000x128xf32, #tpu.memory_space<hbm>>) dst(%arg9 : memref<80x128xf32, #tpu.memory_space<vmem>>)
    %dma_wait3A_80 = arith.constant 160 : i32
    %dma_wait3A_81 = tpu.memref_slice %arg6[%dma_wait3A_80] : memref<10000xi32, #tpu.memory_space<vmem>> -> memref<80xi32, #tpu.memory_space<vmem>>
    %dma_wait3A_82 = arith.constant 0 : i32
    %dma_wait3A_83 = arith.constant 0 : i32
    %dma_wait3A_84 = tpu.memref_slice %arg2[%dma_wait3A_82, %dma_wait3A_83] : memref<10000x128xf32, #tpu.memory_space<hbm>> -> memref<10000x128xf32, #tpu.memory_space<hbm>>
    tpu.wait_indirect_dma semaphore(%arg14 : memref<!tpu.dma_semaphore, #tpu.memory_space<semaphore_mem>>) src(%dma_wait3A_84 : memref<10000x128xf32, #tpu.memory_space<hbm>>) dst(%arg10 : memref<80x128xf32, #tpu.memory_space<vmem>>)
    %barrier3A_85 = arith.constant 0 : index
    tpu.barrier barrier_id(%barrier3A_85)
    %mul3A_86 = arith.constant 624 : i32
    %mul3A_87 = arith.muli %arg1, %mul3A_86 : i32
    %mul3A_88 = arith.constant 624 : i32
    %mul3A_89 = arith.muli %arg1, %mul3A_88 : i32
    "tpu.region"() ({
      %run_scoped3A = tpu.sem_alloc : memref<!tpu.dma_semaphore, #tpu.memory_space<semaphore_mem>>
      %dma_start3A_95 = arith.constant 0 : i32
      %dma_start3A_96 = tpu.memref_slice %arg5[%arg0, %mul3A_89, %dma_start3A_95] : memref<2x10000x128xf32, #tpu.memory_space<hbm>> -> memref<1x624x128xf32, #tpu.memory_space<hbm>>
      %dma_start3A_97 = tpu.memref_squeeze %dma_start3A_96 : memref<1x624x128xf32, #tpu.memory_space<hbm>> -> memref<624x128xf32, #tpu.memory_space<hbm>>
      %dma_start3A_98 = arith.constant 0 : i32
      %dma_start3A_99 = tpu.memref_slice %arg11[%mul3A_87, %dma_start3A_98] : memref<10000x128xf32, #tpu.memory_space<vmem_shared>> -> memref<624x128xf32, #tpu.memory_space<vmem_shared>>
      tpu.enqueue_dma source(%dma_start3A_99 : memref<624x128xf32, #tpu.memory_space<vmem_shared>>) target(%dma_start3A_97 : memref<624x128xf32, #tpu.memory_space<hbm>>) target_semaphore(%run_scoped3A : memref<!tpu.dma_semaphore, #tpu.memory_space<semaphore_mem>>)
      %dma_wait3A_100 = arith.constant 0 : i32
      %dma_wait3A_101 = tpu.memref_slice %arg5[%arg0, %mul3A_89, %dma_wait3A_100] : memref<2x10000x128xf32, #tpu.memory_space<hbm>> -> memref<1x624x128xf32, #tpu.memory_space<hbm>>
      %dma_wait3A_102 = tpu.memref_squeeze %dma_wait3A_101 : memref<1x624x128xf32, #tpu.memory_space<hbm>> -> memref<624x128xf32, #tpu.memory_space<hbm>>
      %dma_wait3A_103 = arith.constant 0 : i32
      %dma_wait3A_104 = tpu.memref_slice %arg11[%mul3A_87, %dma_wait3A_103] : memref<10000x128xf32, #tpu.memory_space<vmem_shared>> -> memref<624x128xf32, #tpu.memory_space<vmem_shared>>
      tpu.wait_dma2 semaphore(%run_scoped3A : memref<!tpu.dma_semaphore, #tpu.memory_space<semaphore_mem>>) src(%dma_wait3A_104 : memref<624x128xf32, #tpu.memory_space<vmem_shared>>) dst(%dma_wait3A_102 : memref<624x128xf32, #tpu.memory_space<hbm>>)
      tpu.yield
    }) : () -> ()
    %eq3A_90 = arith.constant 0 : i32
    %eq3A_91 = arith.cmpi eq, %arg1, %eq3A_90 : i32
    %convert_element_type3A_92 = arith.extui %eq3A_91 : i1 to i32
    %cond3A_93 = arith.constant 0 : i32
    %cond3A_94 = arith.cmpi ne, %convert_element_type3A_92, %cond3A_93 : i32
    scf.if %cond3A_94 {
      "tpu.region"() ({
        %run_scoped3A = tpu.sem_alloc : memref<!tpu.dma_semaphore, #tpu.memory_space<semaphore_mem>>
        %dma_start3A_95 = arith.constant 9984 : i32
        %dma_start3A_96 = arith.constant 0 : i32
        %dma_start3A_97 = tpu.memref_slice %arg5[%arg0, %dma_start3A_95, %dma_start3A_96] : memref<2x10000x128xf32, #tpu.memory_space<hbm>> -> memref<1x16x128xf32, #tpu.memory_space<hbm>>
        %dma_start3A_98 = tpu.memref_squeeze %dma_start3A_97 : memref<1x16x128xf32, #tpu.memory_space<hbm>> -> memref<16x128xf32, #tpu.memory_space<hbm>>
        %dma_start3A_99 = arith.constant 9984 : i32
        %dma_start3A_100 = arith.constant 0 : i32
        %dma_start3A_101 = tpu.memref_slice %arg11[%dma_start3A_99, %dma_start3A_100] : memref<10000x128xf32, #tpu.memory_space<vmem_shared>> -> memref<16x128xf32, #tpu.memory_space<vmem_shared>>
        tpu.enqueue_dma source(%dma_start3A_101 : memref<16x128xf32, #tpu.memory_space<vmem_shared>>) target(%dma_start3A_98 : memref<16x128xf32, #tpu.memory_space<hbm>>) target_semaphore(%run_scoped3A : memref<!tpu.dma_semaphore, #tpu.memory_space<semaphore_mem>>)
        %dma_wait3A_102 = arith.constant 9984 : i32
        %dma_wait3A_103 = arith.constant 0 : i32
        %dma_wait3A_104 = tpu.memref_slice %arg5[%arg0, %dma_wait3A_102, %dma_wait3A_103] : memref<2x10000x128xf32, #tpu.memory_space<hbm>> -> memref<1x16x128xf32, #tpu.memory_space<hbm>>
        %dma_wait3A_105 = tpu.memref_squeeze %dma_wait3A_104 : memref<1x16x128xf32, #tpu.memory_space<hbm>> -> memref<16x128xf32, #tpu.memory_space<hbm>>
        %dma_wait3A_106 = arith.constant 9984 : i32
        %dma_wait3A_107 = arith.constant 0 : i32
        %dma_wait3A_108 = tpu.memref_slice %arg11[%dma_wait3A_106, %dma_wait3A_107] : memref<10000x128xf32, #tpu.memory_space<vmem_shared>> -> memref<16x128xf32, #tpu.memory_space<vmem_shared>>
        tpu.wait_dma2 semaphore(%run_scoped3A : memref<!tpu.dma_semaphore, #tpu.memory_space<semaphore_mem>>) src(%dma_wait3A_108 : memref<16x128xf32, #tpu.memory_space<vmem_shared>>) dst(%dma_wait3A_105 : memref<16x128xf32, #tpu.memory_space<hbm>>)
        tpu.yield
      }) : () -> ()
    } else {
    }
    return
  }
}

module attributes {stable_mosaic.version = 14 : i64} {
  func.func @_dense_body(%arg0: i32, %arg1: i32, %arg2: memref<1000x128xf32, #tpu.memory_space<vmem>>, %arg3: memref<2x1000x128xf32, #tpu.memory_space<vmem>>, %arg4: memref<1000x1xf32, #tpu.memory_space<vmem>>, %arg5: memref<128x128xf32, #tpu.memory_space<vmem>>, %arg6: memref<1x128xf32, #tpu.memory_space<vmem>>, %arg7: memref<128x128xf32, #tpu.memory_space<vmem>>, %arg8: memref<1x128xf32, #tpu.memory_space<vmem>>, %arg9: memref<1x128xf32, #tpu.memory_space<vmem>>, %arg10: memref<1x128xf32, #tpu.memory_space<vmem>>, %arg11: memref<1000x128xf32, #tpu.memory_space<vmem>>, %arg12: memref<10000x128xf32, #tpu.memory_space<vmem>>, %arg13: memref<1x128xf32, #tpu.memory_space<vmem>>, %arg14: memref<1x128xf32, #tpu.memory_space<vmem>>) attributes {dimension_semantics = [#tpu.dimension_semantics<arbitrary>, #tpu.dimension_semantics<arbitrary>], iteration_bounds = array<i64: 2, 10>, scalar_prefetch = 0 : i64, scratch_operands = 3 : i64, tpu.core_type = #tpu.core_type<tc>, window_params = [{transform_indices = @transform_0, window_bounds = array<i64: 1000, 128>}, {transform_indices = @transform_1, window_bounds = array<i64: 2, 1000, 128>}, {transform_indices = @transform_2, window_bounds = array<i64: 1000, 1>}, {pipeline_mode = #tpu.pipeline_mode<synchronous>, transform_indices = @transform_3, window_bounds = array<i64: 128, 128>}, {pipeline_mode = #tpu.pipeline_mode<synchronous>, transform_indices = @transform_4, window_bounds = array<i64: 1, 128>}, {pipeline_mode = #tpu.pipeline_mode<synchronous>, transform_indices = @transform_5, window_bounds = array<i64: 128, 128>}, {pipeline_mode = #tpu.pipeline_mode<synchronous>, transform_indices = @transform_6, window_bounds = array<i64: 1, 128>}, {pipeline_mode = #tpu.pipeline_mode<synchronous>, transform_indices = @transform_7, window_bounds = array<i64: 1, 128>}, {pipeline_mode = #tpu.pipeline_mode<synchronous>, transform_indices = @transform_8, window_bounds = array<i64: 1, 128>}, {transform_indices = @transform_9, window_bounds = array<i64: 1000, 128>}]} {
    %eq3A = arith.constant 0 : i32
    %eq3A_0 = arith.cmpi eq, %arg0, %eq3A : i32
    %convert_element_type3A = arith.extui %eq3A_0 : i1 to i32
    %cond3A = arith.constant 0 : i32
    %cond3A_1 = arith.cmpi ne, %convert_element_type3A, %cond3A : i32
    scf.if %cond3A_1 {
      %get3A = arith.constant 0 : index
      %get3A_7 = arith.constant 0 : index
      %get3A_8 = arith.constant 0 : index
      %get3A_9 = vector.load %arg3[%get3A, %get3A_7, %get3A_8] : memref<2x1000x128xf32, #tpu.memory_space<vmem>>, vector<1x1000x128xf32>
      %get3A_10 = vector.shape_cast %get3A_9 : vector<1x1000x128xf32> to vector<1000x128xf32>
      %get3A_11 = arith.constant 1 : index
      %get3A_12 = arith.constant 0 : index
      %get3A_13 = arith.constant 0 : index
      %get3A_14 = vector.load %arg3[%get3A_11, %get3A_12, %get3A_13] : memref<2x1000x128xf32, #tpu.memory_space<vmem>>, vector<1x1000x128xf32>
      %get3A_15 = vector.shape_cast %get3A_14 : vector<1x1000x128xf32> to vector<1000x128xf32>
      %add3A = arith.addf %get3A_10, %get3A_15 : vector<1000x128xf32>
      %get3A_16 = arith.constant 0 : index
      %get3A_17 = arith.constant 0 : index
      %get3A_18 = vector.load %arg5[%get3A_16, %get3A_17] : memref<128x128xf32, #tpu.memory_space<vmem>>, vector<128x128xf32>
      %dot_general3A = arith.constant dense<0.000000e+00> : vector<1000x128xf32>
      %dot_general3A_19 = tpu.matmul %add3A, %get3A_18, %dot_general3A {dimension_numbers = #tpu.dot_dimension_numbers<[1], [0], [0], [1], [0, 0, 1, 1], [], []>, transpose_lhs_hint = false} : vector<1000x128xf32>, vector<128x128xf32>, vector<1000x128xf32> -> vector<1000x128xf32>
      %get3A_20 = arith.constant 0 : index
      %get3A_21 = arith.constant 0 : index
      %get3A_22 = vector.load %arg6[%get3A_20, %get3A_21] : memref<1x128xf32, #tpu.memory_space<vmem>>, vector<1x128xf32>
      %add3A_23 = vector.broadcast %get3A_22 : vector<1x128xf32> to vector<1000x128xf32>
      %add3A_24 = arith.addf %dot_general3A_19, %add3A_23 : vector<1000x128xf32>
      %max3A = arith.constant 0.000000e+00 : f32
      %max3A_25 = vector.broadcast %max3A : f32 to vector<1000x128xf32>
      %max3A_26 = arith.maximumf %add3A_24, %max3A_25 : vector<1000x128xf32>
      %get3A_27 = arith.constant 0 : index
      %get3A_28 = arith.constant 0 : index
      %get3A_29 = vector.load %arg7[%get3A_27, %get3A_28] : memref<128x128xf32, #tpu.memory_space<vmem>>, vector<128x128xf32>
      %dot_general3A_30 = arith.constant dense<0.000000e+00> : vector<1000x128xf32>
      %dot_general3A_31 = tpu.matmul %max3A_26, %get3A_29, %dot_general3A_30 {dimension_numbers = #tpu.dot_dimension_numbers<[1], [0], [0], [1], [0, 0, 1, 1], [], []>, transpose_lhs_hint = false} : vector<1000x128xf32>, vector<128x128xf32>, vector<1000x128xf32> -> vector<1000x128xf32>
      %get3A_32 = arith.constant 0 : index
      %get3A_33 = arith.constant 0 : index
      %get3A_34 = vector.load %arg8[%get3A_32, %get3A_33] : memref<1x128xf32, #tpu.memory_space<vmem>>, vector<1x128xf32>
      %add3A_35 = vector.broadcast %get3A_34 : vector<1x128xf32> to vector<1000x128xf32>
      %add3A_36 = arith.addf %dot_general3A_31, %add3A_35 : vector<1000x128xf32>
      %get3A_37 = arith.constant 0 : index
      %get3A_38 = arith.constant 0 : index
      %get3A_39 = vector.load %arg4[%get3A_37, %get3A_38] : memref<1000x1xf32, #tpu.memory_space<vmem>>, vector<1000x1xf32>
      %mul3A = vector.broadcast %get3A_39 : vector<1000x1xf32> to vector<1000x128xf32>
      %mul3A_40 = arith.mulf %add3A_36, %mul3A : vector<1000x128xf32>
      %mul3A_41 = arith.constant 1000 : i32
      %mul3A_42 = arith.muli %arg1, %mul3A_41 : i32
      %swap3A = arith.index_cast %mul3A_42 : i32 to index
      %swap3A_43 = arith.constant 0 : index
      %swap3A_44 = vector.load %arg12[%swap3A, %swap3A_43] : memref<10000x128xf32, #tpu.memory_space<vmem>>, vector<1000x128xf32>
      tpu.vector_store %arg12[%swap3A, %swap3A_43], %mul3A_40 {strides = array<i32>} : memref<10000x128xf32, #tpu.memory_space<vmem>>, vector<1000x128xf32>,
      %eq3A_45 = arith.constant 0 : i32
      %eq3A_46 = arith.cmpi eq, %arg1, %eq3A_45 : i32
      %convert_element_type3A_47 = arith.extui %eq3A_46 : i1 to i32
      %cond3A_48 = arith.constant 0 : i32
      %cond3A_49 = arith.cmpi ne, %convert_element_type3A_47, %cond3A_48 : i32
      scf.if %cond3A_49 {
        %broadcast_in_dim3A_69 = arith.constant 0.000000e+00 : f32
        %broadcast_in_dim3A_70 = vector.broadcast %broadcast_in_dim3A_69 : f32 to vector<1x128xf32>
        %swap3A_71 = arith.constant 0 : index
        %swap3A_72 = arith.constant 0 : index
        %swap3A_73 = vector.load %arg13[%swap3A_71, %swap3A_72] : memref<1x128xf32, #tpu.memory_space<vmem>>, vector<1x128xf32>
        tpu.vector_store %arg13[%swap3A_71, %swap3A_72], %broadcast_in_dim3A_70 {strides = array<i32>} : memref<1x128xf32, #tpu.memory_space<vmem>>, vector<1x128xf32>,
        %broadcast_in_dim3A_74 = arith.constant 0.000000e+00 : f32
        %broadcast_in_dim3A_75 = vector.broadcast %broadcast_in_dim3A_74 : f32 to vector<1x128xf32>
        %swap3A_76 = arith.constant 0 : index
        %swap3A_77 = arith.constant 0 : index
        %swap3A_78 = vector.load %arg14[%swap3A_76, %swap3A_77] : memref<1x128xf32, #tpu.memory_space<vmem>>, vector<1x128xf32>
        tpu.vector_store %arg14[%swap3A_76, %swap3A_77], %broadcast_in_dim3A_75 {strides = array<i32>} : memref<1x128xf32, #tpu.memory_space<vmem>>, vector<1x128xf32>,
      } else {
      }
      %get3A_50 = arith.constant 0 : index
      %get3A_51 = arith.constant 0 : index
      %get3A_52 = vector.load %arg13[%get3A_50, %get3A_51] : memref<1x128xf32, #tpu.memory_space<vmem>>, vector<1x128xf32>
      %reduce_sum3A = arith.constant dense<0.000000e+00> : vector<128xf32>
      %reduce_sum3A_53 = vector.multi_reduction <add>, %mul3A_40, %reduce_sum3A [0] : vector<1000x128xf32> to vector<128xf32>
      %broadcast_in_dim3A = vector.shape_cast %reduce_sum3A_53 : vector<128xf32> to vector<1x128xf32>
      %add3A_54 = arith.addf %get3A_52, %broadcast_in_dim3A : vector<1x128xf32>
      %swap3A_55 = arith.constant 0 : index
      %swap3A_56 = arith.constant 0 : index
      %swap3A_57 = vector.load %arg13[%swap3A_55, %swap3A_56] : memref<1x128xf32, #tpu.memory_space<vmem>>, vector<1x128xf32>
      tpu.vector_store %arg13[%swap3A_55, %swap3A_56], %add3A_54 {strides = array<i32>} : memref<1x128xf32, #tpu.memory_space<vmem>>, vector<1x128xf32>,
      %get3A_58 = arith.constant 0 : index
      %get3A_59 = arith.constant 0 : index
      %get3A_60 = vector.load %arg14[%get3A_58, %get3A_59] : memref<1x128xf32, #tpu.memory_space<vmem>>, vector<1x128xf32>
      %mul3A_61 = arith.mulf %mul3A_40, %mul3A_40 : vector<1000x128xf32>
      %reduce_sum3A_62 = arith.constant dense<0.000000e+00> : vector<128xf32>
      %reduce_sum3A_63 = vector.multi_reduction <add>, %mul3A_61, %reduce_sum3A_62 [0] : vector<1000x128xf32> to vector<128xf32>
      %broadcast_in_dim3A_64 = vector.shape_cast %reduce_sum3A_63 : vector<128xf32> to vector<1x128xf32>
      %add3A_65 = arith.addf %get3A_60, %broadcast_in_dim3A_64 : vector<1x128xf32>
      %swap3A_66 = arith.constant 0 : index
      %swap3A_67 = arith.constant 0 : index
      %swap3A_68 = vector.load %arg14[%swap3A_66, %swap3A_67] : memref<1x128xf32, #tpu.memory_space<vmem>>, vector<1x128xf32>
      tpu.vector_store %arg14[%swap3A_66, %swap3A_67], %add3A_65 {strides = array<i32>} : memref<1x128xf32, #tpu.memory_space<vmem>>, vector<1x128xf32>,
    } else {
    }
    %eq3A_2 = arith.constant 1 : i32
    %eq3A_3 = arith.cmpi eq, %arg0, %eq3A_2 : i32
    %convert_element_type3A_4 = arith.extui %eq3A_3 : i1 to i32
    %cond3A_5 = arith.constant 0 : i32
    %cond3A_6 = arith.cmpi ne, %convert_element_type3A_4, %cond3A_5 : i32
    scf.if %cond3A_6 {
      %get3A = arith.constant 0 : index
      %get3A_7 = arith.constant 0 : index
      %get3A_8 = vector.load %arg13[%get3A, %get3A_7] : memref<1x128xf32, #tpu.memory_space<vmem>>, vector<1x128xf32>
      %mul3A = arith.constant 9.99999974E-5 : f32
      %mul3A_9 = vector.broadcast %mul3A : f32 to vector<1x128xf32>
      %mul3A_10 = arith.mulf %get3A_8, %mul3A_9 : vector<1x128xf32>
      %get3A_11 = arith.constant 0 : index
      %get3A_12 = arith.constant 0 : index
      %get3A_13 = vector.load %arg14[%get3A_11, %get3A_12] : memref<1x128xf32, #tpu.memory_space<vmem>>, vector<1x128xf32>
      %mul3A_14 = arith.constant 9.99999974E-5 : f32
      %mul3A_15 = vector.broadcast %mul3A_14 : f32 to vector<1x128xf32>
      %mul3A_16 = arith.mulf %get3A_13, %mul3A_15 : vector<1x128xf32>
      %mul3A_17 = arith.mulf %mul3A_10, %mul3A_10 : vector<1x128xf32>
      %sub3A = arith.subf %mul3A_16, %mul3A_17 : vector<1x128xf32>
      %add3A = arith.constant 9.99999974E-6 : f32
      %add3A_18 = vector.broadcast %add3A : f32 to vector<1x128xf32>
      %add3A_19 = arith.addf %sub3A, %add3A_18 : vector<1x128xf32>
      %rsqrt3A = math.rsqrt %add3A_19 : vector<1x128xf32>
      %get3A_20 = arith.constant 0 : index
      %get3A_21 = arith.constant 0 : index
      %get3A_22 = vector.load %arg9[%get3A_20, %get3A_21] : memref<1x128xf32, #tpu.memory_space<vmem>>, vector<1x128xf32>
      %mul3A_23 = arith.mulf %rsqrt3A, %get3A_22 : vector<1x128xf32>
      %mul3A_24 = arith.constant 1000 : i32
      %mul3A_25 = arith.muli %arg1, %mul3A_24 : i32
      %get3A_26 = arith.index_cast %mul3A_25 : i32 to index
      %get3A_27 = arith.constant 0 : index
      %get3A_28 = vector.load %arg12[%get3A_26, %get3A_27] : memref<10000x128xf32, #tpu.memory_space<vmem>>, vector<1000x128xf32>
      %sub3A_29 = vector.broadcast %mul3A_10 : vector<1x128xf32> to vector<1000x128xf32>
      %sub3A_30 = arith.subf %get3A_28, %sub3A_29 : vector<1000x128xf32>
      %mul3A_31 = vector.broadcast %mul3A_23 : vector<1x128xf32> to vector<1000x128xf32>
      %mul3A_32 = arith.mulf %sub3A_30, %mul3A_31 : vector<1000x128xf32>
      %get3A_33 = arith.constant 0 : index
      %get3A_34 = arith.constant 0 : index
      %get3A_35 = vector.load %arg10[%get3A_33, %get3A_34] : memref<1x128xf32, #tpu.memory_space<vmem>>, vector<1x128xf32>
      %add3A_36 = vector.broadcast %get3A_35 : vector<1x128xf32> to vector<1000x128xf32>
      %add3A_37 = arith.addf %mul3A_32, %add3A_36 : vector<1000x128xf32>
      %get3A_38 = arith.constant 0 : index
      %get3A_39 = arith.constant 0 : index
      %get3A_40 = vector.load %arg2[%get3A_38, %get3A_39] : memref<1000x128xf32, #tpu.memory_space<vmem>>, vector<1000x128xf32>
      %max3A = arith.constant 0.000000e+00 : f32
      %max3A_41 = vector.broadcast %max3A : f32 to vector<1000x128xf32>
      %max3A_42 = arith.maximumf %add3A_37, %max3A_41 : vector<1000x128xf32>
      %add3A_43 = arith.addf %get3A_40, %max3A_42 : vector<1000x128xf32>
      %swap3A = arith.constant 0 : index
      %swap3A_44 = arith.constant 0 : index
      %swap3A_45 = vector.load %arg11[%swap3A, %swap3A_44] : memref<1000x128xf32, #tpu.memory_space<vmem>>, vector<1000x128xf32>
      tpu.vector_store %arg11[%swap3A, %swap3A_44], %add3A_43 {strides = array<i32>} : memref<1000x128xf32, #tpu.memory_space<vmem>>, vector<1000x128xf32>,
    } else {
    }
    return
  }
  func.func @transform_0(%arg0: i32, %arg1: i32) -> (i32, i32) {
    %eq3A = arith.constant 0 : i32
    %eq3A_0 = arith.cmpi eq, %arg0, %eq3A : i32
    %jit3A = arith.constant 0 : i32
    %select_n3A = arith.select %eq3A_0, %jit3A, %arg1 : i32
    %c0_i32 = arith.constant 0 : i32
    %c0_i32_1 = arith.constant 0 : i32
    return %select_n3A, %c0_i32 : i32, i32
  }
  func.func @transform_1(%arg0: i32, %arg1: i32) -> (i32, i32, i32) {
    %eq3A = arith.constant 0 : i32
    %eq3A_0 = arith.cmpi eq, %arg0, %eq3A : i32
    %jit3A = arith.constant 0 : i32
    %select_n3A = arith.select %eq3A_0, %arg1, %jit3A : i32
    %c0_i32 = arith.constant 0 : i32
    %c0_i32_1 = arith.constant 0 : i32
    %c0_i32_2 = arith.constant 0 : i32
    return %c0_i32, %select_n3A, %c0_i32_1 : i32, i32, i32
  }
  func.func @transform_2(%arg0: i32, %arg1: i32) -> (i32, i32) {
    %c0_i32 = arith.constant 0 : i32
    %c0_i32_0 = arith.constant 0 : i32
    return %arg1, %c0_i32 : i32, i32
  }
  func.func @transform_3(%arg0: i32, %arg1: i32) -> (i32, i32) {
    %c0_i32 = arith.constant 0 : i32
    %c0_i32_0 = arith.constant 0 : i32
    %c0_i32_1 = arith.constant 0 : i32
    return %c0_i32, %c0_i32_0 : i32, i32
  }
  func.func @transform_4(%arg0: i32, %arg1: i32) -> (i32, i32) {
    %c0_i32 = arith.constant 0 : i32
    %c0_i32_0 = arith.constant 0 : i32
    %c0_i32_1 = arith.constant 0 : i32
    return %c0_i32, %c0_i32_0 : i32, i32
  }
  func.func @transform_5(%arg0: i32, %arg1: i32) -> (i32, i32) {
    %c0_i32 = arith.constant 0 : i32
    %c0_i32_0 = arith.constant 0 : i32
    %c0_i32_1 = arith.constant 0 : i32
    return %c0_i32, %c0_i32_0 : i32, i32
  }
  func.func @transform_6(%arg0: i32, %arg1: i32) -> (i32, i32) {
    %c0_i32 = arith.constant 0 : i32
    %c0_i32_0 = arith.constant 0 : i32
    %c0_i32_1 = arith.constant 0 : i32
    return %c0_i32, %c0_i32_0 : i32, i32
  }
  func.func @transform_7(%arg0: i32, %arg1: i32) -> (i32, i32) {
    %c0_i32 = arith.constant 0 : i32
    %c0_i32_0 = arith.constant 0 : i32
    %c0_i32_1 = arith.constant 0 : i32
    return %c0_i32, %c0_i32_0 : i32, i32
  }
  func.func @transform_8(%arg0: i32, %arg1: i32) -> (i32, i32) {
    %c0_i32 = arith.constant 0 : i32
    %c0_i32_0 = arith.constant 0 : i32
    %c0_i32_1 = arith.constant 0 : i32
    return %c0_i32, %c0_i32_0 : i32, i32
  }
  func.func @transform_9(%arg0: i32, %arg1: i32) -> (i32, i32) {
    %eq3A = arith.constant 0 : i32
    %eq3A_0 = arith.cmpi eq, %arg0, %eq3A : i32
    %jit3A = arith.constant 0 : i32
    %select_n3A = arith.select %eq3A_0, %jit3A, %arg1 : i32
    %c0_i32 = arith.constant 0 : i32
    %c0_i32_1 = arith.constant 0 : i32
    return %select_n3A, %c0_i32 : i32, i32
  }
}

</mosaic_0001>

<sc_bundles>
// kernel: kernel.4.cloned.1.call-start
scs
__scs_entry_jumppad:
0x0: {  	(pc) =	sbr.rel $0x88, $3  }
0x1: {  	(tag) =	ssettag $0x0;
	lr =	simm.s32 $0x1  }
0x2: {  	[smem:$0x3F98] =	sst lr;
	_ =	strace $0xD0000000  }
0x3: {  	_ = 	snop  }
0x4: {  	_ = 	snop  }
0x5: {  	_ = 	snop  }
0x6: {  	_ = 	snop  }
0x7: {  	_ = 	snop  }
__scs_overlays_trampoline_lowered:
0x8: {  	[smem:$0x3FA7] =	sst s0  }
0x9: {  	[smem:$0x3FA8] =	sst s1  }
0xa: {  	[smem:$0x3FA9] =	sst s2  }
0xb: {  	[smem:$0x3FAA] =	sst s3  }
0xc: {  	[smem:$0x3FAB] =	sst s4  }
0xd: {  	[smem:$0x3FAC] =	sst s5  }
0xe: {  	[smem:$0x3FAD] =	sst s6  }
0xf: {  	[smem:$0x3FAE] =	sst s7  }
0x10: {  	[smem:$0x3FAF] =	sst s8  }
0x11: {  	[smem:$0x3FB0] =	sst s9;
	s0 =	simm.s32 @!p0 $0x0  }
0x12: {  	s1 =	sld [smem:$0x3F96];
	s0 =	simm.s32 @p0 $0x1  }
0x13: {  	[smem:$0x3FB1] =	sst s0;
	s0 =	simm.s32 @!p1 $0x0  }
0x14: {  	s2 =	sld [smem:$0x3F95];
	s0 =	simm.s32 @p1 $0x1  }
0x15: {  	[smem:$0x3FB2] =	sst s0;
	s0 =	simm.s32 @!p2 $0x0  }
0x16: {  	s3 =	sld [smem:$0x3FDB];
	s0 =	simm.s32 @p2 $0x1  }
0x17: {  	s4 =	simm.s32 $0x1BF5;
	[smem:$0x3FB4] =	sst s0  }
0x18: {  	s0 =	sld [smem:$0x3F97];
	_ =	swait.ge [sflag:s4], $0x0  }
0x19: {  	s7 =	sld [smem:$0x3F98]  }
0x1a: {  	s8 =	sadd.s32 $0xFFFFE003, lr  }
0x1b: {  	s9 =	sadd.s32 $0xFFFFFEF7, lr;
	s5 =	simm.s32 $0xFFFFFFFF;
	p2 =	slt.u32 s8, $0xFFFFF086  }
0x1c: {  	p1 =	slt.u32 s9, $0xF7A;
	s5 =	simm.s32 @!p2 $0x0  }
0x1d: {  	s5 =	simm.s32 @p1 $0x1;
	p0 =	seq.s32 s7, s2  }
0x1e: {  	s7 =	smul.u32 @!p0 $0xF7A, s2;
	p2 =	seq.s32 @!p0 s5, $0x0  }
0x1f: {  	s9 =	smul.u32 $0xF7A, s1;
	s8 =	simm.s32 @!p0 $0x1BF5;
	p2 =	por !p2, p0  }
0x20: {  	[sflag:s8] =	ssyncset.s32 @!p0 $0xFFFFF086;
	s6 =	sadd.s32 @!p0 s3, s7;
	s7 =	simm.s32 @!p0 $0x108  }
0x21: {  	s3 =	sadd.s32 s3, s9;
	s6 =	sadd.s32 @!p0 $0x88, s6;
	s7 =	simm.s32 @p2 $0x1082  }
0x22: {  	[simem:s7], [sflag:s8] =	dma.local @!p0 [hbm:s6], $0xF7A  }
0x23: {  	s9 =	sor.u32 $0xD0000000, s2;
	s6 =	simm.s32 $0x108;
	_ =	swait.ge @!p0 [sflag:s8], $0x0  }
0x24: {  	s3 =	sadd.s32 $0x88, s3;
	s6 =	simm.s32 @!p1 $0x1082;
	[sflag:s4] =	ssyncset.s32 $0xFFFFF086  }
0x25: {  	[simem:s6], [sflag:s4] =	dma.local [hbm:s3], $0xF7A  }
0x26: {  	[smem:$0x3F98] =	sst s1;
	(tag) =	ssettag s2;
	_ =	strace s9  }
0x27: {  	s1 =	sld [smem:$0x3FA8]  }
0x28: {  	s2 =	sld [smem:$0x3FA9]  }
0x29: {  	s4 =	sld [smem:$0x3FAB]  }
0x2a: {  	p0 =	seq.s32 s5, $0x0;
	s5 =	sld [smem:$0x3FAC]  }
0x2b: {  	s6 =	sld [smem:$0x3FAD]  }
0x2c: {  	s7 =	sld [smem:$0x3FAE]  }
0x2d: {  	s3 =	simm.s32 $0x108;
	s8 =	sld [smem:$0x3FAF]  }
0x2e: {  	s3 =	simm.s32 @!p0 $0x1082;
	s9 =	sld [smem:$0x3FB0]  }
0x2f: {  	lr =	sadd.s32 s0, s3;
	s0 =	sld [smem:$0x3FA7]  }
0x30: {  	s3 =	sld [smem:$0x3FAA]  }
0x31: {  	[smem:$0x3FB3] =	sst s10  }
0x32: {  	s10 =	sld [smem:$0x3FB1];
	_ =	sdelay $0x3  }
0x33: {  	p0 =	seq.s32 s10, $0x1;
	s10 =	sld [smem:$0x3FB3];
	_ =	sdelay $0x3  }
0x34: {  	[smem:$0x3FB3] =	sst s10  }
0x35: {  	s10 =	sld [smem:$0x3FB2];
	_ =	sdelay $0x3  }
0x36: {  	p1 =	seq.s32 s10, $0x1;
	s10 =	sld [smem:$0x3FB3];
	_ =	sdelay $0x3  }
0x37: {  	[smem:$0x3FB3] =	sst s10  }
0x38: {  	s10 =	sld [smem:$0x3FB4]  }
0x39: {  	_ = 	snop;
	(pc) =	sbr.ind lr, $3  }
0x3a: {  	_ = 	snop  }
0x3b: {  	_ = 	snop  }
0x3c: {  	p2 =	seq.s32 s10, $0x1;
	s10 =	sld [smem:$0x3FB3]  }
0x3d: {  	_ =	shalt  }
0x3e: {  	_ =	shalt  }
0x3f: {  	_ =	shalt  }
0x40: {  	_ =	shalt  }
0x41: {  	_ =	shalt  }
0x42: {  	_ =	shalt  }
0x43: {  	_ =	shalt  }
0x44: {  	_ =	shalt  }
0x45: {  	_ =	shalt  }
0x46: {  	_ =	shalt  }
0x47: {  	_ =	shalt  }
0x48: {  	_ =	shalt  }
0x49: {  	_ =	shalt  }
0x4a: {  	_ =	shalt  }
0x4b: {  	_ =	shalt  }
0x4c: {  	_ =	shalt  }
0x4d: {  	_ =	shalt  }
0x4e: {  	_ =	shalt  }
0x4f: {  	_ =	shalt  }
0x50: {  	_ =	shalt  }
0x51: {  	_ =	shalt  }
0x52: {  	_ =	shalt  }
0x53: {  	_ =	shalt  }
0x54: {  	_ =	shalt  }
0x55: {  	_ =	shalt  }
0x56: {  	_ =	shalt  }
0x57: {  	_ =	shalt  }
0x58: {  	_ =	shalt  }
0x59: {  	_ =	shalt  }
0x5a: {  	_ =	shalt  }
0x5b: {  	_ =	shalt  }
0x5c: {  	_ =	shalt  }
0x5d: {  	_ =	shalt  }
0x5e: {  	_ =	shalt  }
0x5f: {  	_ =	shalt  }
0x60: {  	_ =	shalt  }
0x61: {  	_ =	shalt  }
0x62: {  	_ =	shalt  }
0x63: {  	_ =	shalt  }
0x64: {  	_ =	shalt  }
0x65: {  	_ =	shalt  }
0x66: {  	_ =	shalt  }
0x67: {  	_ =	shalt  }
0x68: {  	_ =	shalt  }
0x69: {  	_ =	shalt  }
0x6a: {  	_ =	shalt  }
0x6b: {  	_ =	shalt  }
0x6c: {  	_ =	shalt  }
0x6d: {  	_ =	shalt  }
0x6e: {  	_ =	shalt  }
0x6f: {  	_ =	shalt  }
0x70: {  	_ =	shalt  }
0x71: {  	_ =	shalt  }
0x72: {  	_ =	shalt  }
0x73: {  	_ =	shalt  }
0x74: {  	_ =	shalt  }
0x75: {  	_ =	shalt  }
0x76: {  	_ =	shalt  }
0x77: {  	_ =	shalt  }
0x78: {  	_ =	shalt  }
0x79: {  	_ =	shalt  }
0x7a: {  	_ =	shalt  }
0x7b: {  	_ =	shalt  }
0x7c: {  	_ =	shalt  }
0x7d: {  	_ =	shalt  }
0x7e: {  	_ =	shalt  }
0x7f: {  	_ =	shalt  }
0x80: {  	_ =	shalt  }
0x81: {  	_ =	shalt  }
0x82: {  	_ =	shalt  }
0x83: {  	_ =	shalt  }
0x84: {  	_ =	shalt  }
0x85: {  	_ =	shalt  }
0x86: {  	_ =	shalt  }
0x87: {  	_ =	shalt  }
.Lfunc_end0:
.L_simem_size_0:
called_computation_lowered:
.L_overlay_start_0:
0x88: {  	s2 =	sld [smem:$0x3FD9]  }
0x89: {  	s3 =	sld [smem:$0x3FFE];
	_ =	sdelay $0x1  }
0x8a: {  	s1 =	srdreg.scid  }
0x8b: {  	s0 =	sand.u32 $0x1, s1  }
0x8c: {  	s17 =	sshll.u32 s0, $0xA;
	s2 =	sadd.s32 s3, s2  }
0x8d: {  	s2 =	sadd.s32 s2, s17  }
0x8e: {  	[smem:$0x3FBF] =	sst s2  }
0x8f: {  	_ = 	snop  }
0x90: {  	s2 =	sld [smem:$0x3FC9]  }
0x91: {  	s18 =	sld [smem:$0x3FD0];
	(tm) =	ssettm $0x1  }
0x92: {  	s4 =	sld [smem:$0x3FFB];
	_ =	sdelay $0x3  }
0x93: {  	_ =	strace s4  }
0x94: {  	s4 =	sld [smem:$0x3FFC];
	_ =	sdelay $0x3  }
0x95: {  	_ =	strace s4  }
0x96: {  	s4 =	sld [smem:$0x3FFD];
	_ =	sdelay $0x3  }
0x97: {  	_ =	strace s4  }
0x98: {  	_ =	strace $0x8FFFFFFF  }
0x99: {  	s19 =	sld [smem:$0x3FDB];
	_ =	sdelay $0x1  }
0x9a: {  	s5 =	simm.s32 $_scs_section_size  }
0x9b: {  	s6 =	simm.s32 $_size__tile_overlayer_lowered;
	s7 =	simm.s32 $_tile_overlayer_lowered  }
0x9c: {  	s22 =	simm.s32 $0x1BFF;
	s21 =	sshll.u32 s7, $0x1;
	s4 =	sadd.s32 s5, s19  }
0x9d: {  	s8 =	simm.s32 $0x0;
	s20 =	sshll.u32 s6, $0x1;
	s6 =	sadd.s32 s21, s4  }
0x9e: {  	[timem:s8], [sflag:s22] =	dma.local [hbm:s6], s20  }
0x9f: {  	_ =	swait.ge [sflag:s22], s20  }
0xa0: {  	s5 =	ssub.s32 $0x0, s20;
	[sflag:s22] =	ssyncset.done $0x0  }
0xa1: {  	[sflag:s22] =	ssyncadd.s32 s5;
	_ =	sdelay $0x1  }
0xa2: {  	s23 =	simm.s32 $0x1B8B  }
0xa3: {  	_ =	swait.ge [sflag:s23], $0x1  }
0xa4: {  	[sflag:s23] =	ssyncset.done $0x0  }
0xa5: {  	s25 =	simm.s32 $0x1B8E;
	s24 =	sld [smem:$0x3FFE];
	[sflag:s23] =	ssyncadd.s32 $0xFFFFFFFF  }
0xa6: {  	s26 =	simm.s32 $execute0_lowered;
	[smem:$0x3FD2] =	sst s25  }
0xa7: {  	s6 =	sshll.u32 s26, $0x1;
	_ =	strace $0x80000046;
	[dreg:$0x1] =	wrdreg $0xFFFFFFFF  }
0xa8: {  	s28 =	simm.s32 $_size_execute0_lowered;
	s4 =	sadd.s32 s4, s6;
	[dreg:$0x0] =	wrdreg $0x0  }
0xa9: {  	s6 =	sshll.u32 s28, $0x1;
	[dreg:$0x2] =	wrdreg s4  }
0xaa: {  	[dreg:$0x3] =	wrdreg s6  }
0xab: {  	[dreg:$0x4] =	wrdreg $0xC0  }
0xac: {  	_ =	task [dreg:s8], $0x5FFFF  }
0xad: {  	[dreg:$0x1] =	wrdreg $0xFFFFFFFF  }
0xae: {  	[dreg:$0x0] =	wrdreg $0x60  }
0xaf: {  	[dreg:$0x2] =	wrdreg s2  }
0xb0: {  	[dreg:$0x3] =	wrdreg s24  }
0xb1: {  	[dreg:$0x4] =	wrdreg s18  }
0xb2: {  	[dreg:$0x5] =	wrdreg $0xC6200  }
0xb3: {  	[dreg:$0x6] =	wrdreg $0x9  }
0xb4: {  	_ =	task.clear_ibuf [dreg:s8], $0x7FFFF;
	_ =	strace $0x90000046  }
0xb5: {  	s29 =	simm.s32 $0x9;
	_ =	strace $0x80000048  }
0xb6: {  	_ =	swait.ge [sflag:s29], $0x1  }
0xb7: {  	[sflag:s29] =	ssyncadd.s32 $0xFFFFFFFF  }
0xb8: {  	_ =	strace $0x90000048  }
0xb9: {  	_ =	sfence  }
0xba: {  	s30 =	sld [smem:$0x0];
	_ =	sdelay $0x2  }
0xbb: {  	s31 =	sshll.u32 s1, $0xD;
	s1 =	sshrl.u32 s1, $0x2  }
0xbc: {  	s3 =	sand.u32 $0x4000, s31;
	s1 =	sadd.s32 s1, s30  }
0xbd: {  	s0 =	sor.u32 s3, s0;
	s1 =	sshll.u32 s1, $0x11  }
0xbe: {  	s0 =	sor.u32 s1, s0  }
0xbf: {  	s0 =	sadd.s32 $0x8F2B, s0  }
0xc0: {  	[sflag:s0] =	ssyncadd.remote.s32 $0x1  }
0xc1: {  	_ =	sfence.sel $0xFFFF  }
0xc2: {  	[dreg:$0x0] =	wrdreg $0xFFFFFFFF;
	(pc) =	sbr.abs _section_cstart, $3  }
0xc3: {  	[dreg:$0x1] =	wrdreg $0xFFFFFFFF  }
0xc4: {  	_ =	task.clear_ibuf [dreg:s8], $0x2FFFF;
	_ =	strace $0x9FFFFFFF  }
0xc5: {  	(tm) =	ssettm $0x7FFFFFFF  }
tec
execute0_lowered:
.L_overlay_start_1:
0x0: {  	(tag) =	ssettag $0x1  }
0x1: {  	s0 =	rddreg [dreg:$0x0]  }
0x2: {  	s5 =	rddreg [dreg:$0x1]  }
0x3: {  	s1 =	srdreg.scid;
	s6 =	rddreg [dreg:$0x2]  }
0x4: {  	s2 =	stileid.u32;
	s3 =	rddreg [dreg:$0x3];
	s29 =	simm.s32 $0x9E20  }
0x5: {  	s30 =	simm.s32 $0x3;
	s14 =	simm.s32 $0x4;
	s15 =	simm.s32 $0x2  }
0x6: {  	s16 =	simm.s32 $0x5;
	s17 =	simm.s32 $0x4CE0;
	s18 =	simm.s32 $0x4D30  }
0x7: {  	s28 =	simm.s32 $0x0;
	s1 =	sand.u32 $0x1, s1;
	s19 =	smul.u32 $0x13800, s2  }
0x8: {  	s12 =	sadd.s32 $0xB200, s5;
	s11 =	smul.u32 $0x4E000, s2;
	s13 =	sadd.s32 $0x27000, s0  }
0x9: {  	p1 =	sne.s32 s2, $0x0;
	s4 =	sshll.u32 s1, $0x4;
	s8 =	ssub.s32 $0x2, s1  }
0xa: {  	p0 =	seq.s32 s1, $0x1;
	s1 =	smul.u32 $0x138800, s1;
	s7 =	sor.u32 s2, s4  }
0xb: {  	s4 =	simm.s32 $0x0;
	s10 =	sshrl.u32 s8, $0x1;
	s20 =	sshrl.u32 s19, $0x3  }
0xc: {  	s11 =	sshrl.u32 s11, $0x2;
	s7 =	smul.u32 $0x4E2, s7;
	[smem:$0x7FF] =	sst s4  }
0xd: {  	s8 =	ssub.s32 s8, s10;
	s11 =	sadd.s32 s11, s3;
	s10 =	sadd.s32 s19, s1  }
0xe: {  	_ =	strace $0x80000047;
	[dreg:$0x6] =	wrdreg s13;
	s21 =	sadd.s32 $0x2800, s11  }
0xf: {  	s1 =	sshrl.u32 s1, $0x3;
	s22 =	sadd.s32 $0x5000, s11;
	[dreg:$0x7] =	wrdreg s21  }
0x10: {  	s23 =	sadd.s32 $0x7800, s11;
	s24 =	sadd.s32 $0xA000, s11;
	[dreg:$0x8] =	wrdreg s22  }
0x11: {  	s25 =	sadd.s32 $0xC800, s11;
	s26 =	sadd.s32 $0xF000, s11;
	[dreg:$0x9] =	wrdreg s23  }
0x12: {  	s10 =	sshrl.u32 s10, $0x3;
	s31 =	sadd.s32 $0x11800, s11;
	[dreg:$0xa] =	wrdreg s24  }
0x13: {  	s1 =	sadd.s32 s12, s1;
	s13 =	simm.s32 $0x1;
	[dreg:$0xb] =	wrdreg s25  }
0x14: {  	s9 =	sadd.s32 s7, s5;
	s6 =	sadd.s32 s6, s7;
	[dreg:$0xc] =	wrdreg s26  }
0x15: {  	s7 =	sadd.s32 s19, s3;
	[dreg:$0xd] =	wrdreg s31;
	s19 =	sadd.s32 s12, s10  }
0x16: {  	s21 =	smax.u32 s8, $0x1;
	s22 =	simm.s32 $0x7;
	s24 =	simm.s32 $0x4E20  }
0x17: {  	s25 =	simm.s32 $0x50;
	s26 =	simm.s32 $0x7620;
	s12 =	simm.s32 $0xA0  }
0x18: {  	s5 =	sadd.s32 $0x1400, s9;
	s9 =	sadd.s32 s0, s20;
	s20 =	sadd.s32 $0x27000, s1  }
0x19: {  	v0 =	vimm.f32 $0.0e+00;
	s1 =	simm.s32 $0x6;
	[dreg:$0x5] =	wrdreg s9;
	s9 =	sadd.s32 $0x138000, s3  }
.LBB2_1:
0x1a: {  	[tilespmem:s4], [sflag:$0x7] =	stream.linear.gather [hbm4b:s5+s4], $0x2710, $0x38;
	[tilespmem:$0x1FEA0] =	vst v63  }
0x1b: {  	_ =	swait.ge [sflag:s22], $0x2710  }
0x1c: {  	[sflag:s22] =	ssyncset.done $0x0  }
.Ltmp0:
0x1d: {  	s8 =	simm.s32 $0x2710;
	[sflag:s22] =	ssyncadd.s32 $0xFFFFD8F0;
	(pc) =	sbr.rel @!p0 .LBB2_2-.Ltmp0, $4  }
0x1e: {  	[tilespmem:s8], [sflag:$0x7] =	stream.linear.gather [hbm4b:s6+s4], $0x2710, $0x38;
	[tilespmem:$0x1FEA0] =	vst v63  }
0x1f: {  	_ =	swait.ge [sflag:s22], $0x2710  }
0x20: {  	[sflag:s22] =	ssyncset.done $0x0  }
0x21: {  	s31 =	sshrl.u32 @!p1 s9, $0x3;
	[sflag:s22] =	ssyncadd.s32 $0xFFFFD8F0  }
0x22: {  	s8 =	sshra.s32 s4, $0x2;
	s10 =	sadd.s32 $0x200, s4  }
.LBB2_4:
0x23: {  	p2 =	sne.s32 s10, $0x9E00;
	[tilespmem:s8+$0x4E90] =	vst v0  }
0x24: {  	[tilespmem:s8+$0x4E20] =	vst v0  }
0x25: {  	[tilespmem:s8+$0x4E30] =	vst v0  }
.Ltmp1:
0x26: {  	[tilespmem:s8+$0x4E40] =	vst v0;
	(pc) =	sbr.rel @p2 .LBB2_4-.Ltmp1, $4  }
0x27: {  	[tilespmem:s8+$0x4E50] =	vst v0  }
0x28: {  	[tilespmem:s8+$0x4E60] =	vst v0  }
0x29: {  	[tilespmem:s8+$0x4E70] =	vst v0  }
0x2a: {  	[tilespmem:s8+$0x4E80] =	vst v0;
	s8 =	sshra.s32 s10, $0x2;
	s10 =	sadd.s32 $0x200, s10  }
0x2b: {  	[tilespmem:s8+$0x4E90] =	vst v0  }
0x2c: {  	[tilespmem:s8+$0x4E20] =	vst v0  }
0x2d: {  	[tilespmem:s8+$0x4E30] =	vst v0  }
0x2e: {  	[tilespmem:s8+$0x4E40] =	vst v0  }
0x2f: {  	[tilespmem:s8+$0x4E50] =	vst v0  }
0x30: {  	[tilespmem:s8+$0x4E60] =	vst v0  }
0x31: {  	[tilespmem:s8+$0x4E70] =	vst v0  }
0x32: {  	[tilespmem:s8+$0x4E80] =	vst v0  }
0x33: {  	[spmem:s11] =	stream.linear.scatter [tilespmem:s24], [sflag:$0x7], $0x2800, $0x38;
	[tilespmem:$0x1FEA0] =	vst v63  }
0x34: {  	_ =	swait.ge [sflag:s22], $0x2800  }
0x35: {  	[sflag:s22] =	ssyncset.done $0x0  }
0x36: {  	s23 =	rddreg [dreg:$0x7];
	[sflag:s22] =	ssyncadd.s32 $0xFFFFD800  }
0x37: {  	[spmem:s23] =	stream.linear.scatter [tilespmem:s24], [sflag:$0x7], $0x2800, $0x38;
	[tilespmem:$0x1FEA0] =	vst v63  }
0x38: {  	_ =	swait.ge [sflag:s22], $0x2800  }
0x39: {  	[sflag:s22] =	ssyncset.done $0x0  }
0x3a: {  	s10 =	rddreg [dreg:$0x8];
	[sflag:s22] =	ssyncadd.s32 $0xFFFFD800  }
0x3b: {  	[spmem:s10] =	stream.linear.scatter [tilespmem:s24], [sflag:$0x7], $0x2800, $0x38;
	[tilespmem:$0x1FEA0] =	vst v63  }
0x3c: {  	_ =	swait.ge [sflag:s22], $0x2800  }
0x3d: {  	[sflag:s22] =	ssyncset.done $0x0  }
0x3e: {  	s23 =	rddreg [dreg:$0x9];
	[sflag:s22] =	ssyncadd.s32 $0xFFFFD800  }
0x3f: {  	[spmem:s23] =	stream.linear.scatter [tilespmem:s24], [sflag:$0x7], $0x2800, $0x38;
	[tilespmem:$0x1FEA0] =	vst v63  }
0x40: {  	_ =	swait.ge [sflag:s22], $0x2800  }
0x41: {  	[sflag:s22] =	ssyncset.done $0x0  }
0x42: {  	s10 =	rddreg [dreg:$0xa];
	[sflag:s22] =	ssyncadd.s32 $0xFFFFD800  }
0x43: {  	[spmem:s10] =	stream.linear.scatter [tilespmem:s24], [sflag:$0x7], $0x2800, $0x38;
	[tilespmem:$0x1FEA0] =	vst v63  }
0x44: {  	_ =	swait.ge [sflag:s22], $0x2800  }
0x45: {  	[sflag:s22] =	ssyncset.done $0x0  }
0x46: {  	s23 =	rddreg [dreg:$0xb];
	[sflag:s22] =	ssyncadd.s32 $0xFFFFD800  }
0x47: {  	[spmem:s23] =	stream.linear.scatter [tilespmem:s24], [sflag:$0x7], $0x2800, $0x38;
	[tilespmem:$0x1FEA0] =	vst v63  }
0x48: {  	_ =	swait.ge [sflag:s22], $0x2800  }
0x49: {  	[sflag:s22] =	ssyncset.done $0x0  }
0x4a: {  	s10 =	rddreg [dreg:$0xc];
	[sflag:s22] =	ssyncadd.s32 $0xFFFFD800  }
0x4b: {  	[spmem:s10] =	stream.linear.scatter [tilespmem:s24], [sflag:$0x7], $0x2800, $0x38;
	[tilespmem:$0x1FEA0] =	vst v63  }
0x4c: {  	_ =	swait.ge [sflag:s22], $0x2800  }
0x4d: {  	[sflag:s22] =	ssyncset.done $0x0  }
0x4e: {  	s23 =	rddreg [dreg:$0xd];
	[sflag:s22] =	ssyncadd.s32 $0xFFFFD800  }
0x4f: {  	[spmem:s23] =	stream.linear.scatter [tilespmem:s24], [sflag:$0x7], $0x2000, $0x38;
	[tilespmem:$0x1FEA0] =	vst v63  }
0x50: {  	_ =	swait.ge [sflag:s22], $0x2000  }
0x51: {  	[sflag:s22] =	ssyncset.done $0x0  }
0x52: {  	s8 =	simm.s32 @!p1 $0x4E20;
	[sflag:s22] =	ssyncadd.s32 $0xFFFFE000  }
0x53: {  	[spmem:s9] =	stream.linear.scatter @!p1 [tilespmem:s8], [sflag:$0x7], $0x800, $0x38;
	[tilespmem:$0x1FEA0] =	vst v63  }
.Ltmp2:
0x54: {  	_ = 	snop;
	(pc) =	sbr.rel .LBB2_6-.Ltmp2, $4  }
0x55: {  	s8 =	simm.s32 @!p1 $0x7  }
0x56: {  	_ =	swait.ge @!p1 [sflag:s8], $0x800  }
0x57: {  	[sflag:s8] =	ssyncset.done @!p1 $0x0  }
0x58: {  	[sflag:s8] =	ssyncadd.s32 @!p1 $0xFFFFF800  }
.LBB2_2:
0x59: {  	s8 =	sshll.u32 s2, $0x6  }
0x5a: {  	s10 =	sshrl.u32 s7, $0x3;
	s23 =	rddreg [dreg:$0x5];
	s8 =	sor.u32 $0x1C07, s8  }
0x5b: {  	[spmem:s10], [sflag:s8] =	dma.local [hbm:s23], $0x2700  }
0x5c: {  	_ =	swait.ge [sflag:s22], $0x2700  }
0x5d: {  	[sflag:s22] =	ssyncset.done $0x0  }
0x5e: {  	s10 =	rddreg [dreg:$0x6];
	[sflag:s22] =	ssyncadd.s32 $0xFFFFD900  }
0x5f: {  	[spmem:s31], [sflag:s8] =	dma.local @!p1 [hbm:s10], $0x100  }
0x60: {  	s8 =	simm.s32 @!p1 $0x7  }
0x61: {  	_ =	swait.ge @!p1 [sflag:s8], $0x100  }
0x62: {  	[sflag:s8] =	ssyncset.done @!p1 $0x0  }
0x63: {  	[sflag:s8] =	ssyncadd.s32 @!p1 $0xFFFFFF00  }
.LBB2_6:
0x64: {  	s8 =	simm.s32 $0x0  }
0x65: {  	[tilespmem:s24], [sflag:$0x1] =	stream.indirect.gather [hbm4b:s0+s25], $0x80, s8, s25, $0xb8;
	[tilespmem:$0x1FEA0] =	vst v63  }
0x66: {  	_ = 	snop  }
0x67: {  	[tilespmem:s26], [sflag:$0x2] =	stream.indirect.gather [hbm4b:s0+s25], $0x80, s25, s25, $0xb8;
	[tilespmem:$0x1FEA0] =	vst v63  }
0x68: {  	s23 =	simm.s32 $0x2670  }
0x69: {  	[tilespmem:s29], [sflag:$0x3] =	stream.indirect.gather [hbm4b:s0+s25], $0x80, s23, s25, $0xb8;
	[tilespmem:$0x1FEA0] =	vst v63  }
0x6a: {  	[bflag:$0x0] =	sbarrier.arrive $0xFFFF  }
0x6b: {  	_ =	swait.ge [sflag:s30], $0x2800  }
0x6c: {  	[sflag:s30] =	ssyncset.done $0x0  }
0x6d: {  	s10 =	simm.s32 $0x4D80;
	[sflag:s30] =	ssyncadd.s32 $0xFFFFD800  }
0x6e: {  	[spmem:s3] =	stream.indirect.scatter.add.f32 [tilespmem:s29], [sflag:$0x6], $0x80, s10, s25, $0xb8;
	[tilespmem:$0x1FEA0] =	vst v63  }
0x6f: {  	_ =	swait.ge [sflag:s1], $0x2800  }
0x70: {  	[sflag:s1] =	ssyncset.done $0x0  }
0x71: {  	s23 =	simm.s32 $0x26C0;
	[sflag:s1] =	ssyncadd.s32 $0xFFFFD800  }
0x72: {  	[tilespmem:s29], [sflag:$0x3] =	stream.indirect.gather [hbm4b:s0+s25], $0x80, s23, s25, $0xb8;
	[tilespmem:$0x1FEA0] =	vst v63  }
0x73: {  	_ =	swait.ge [sflag:s30], $0x2800  }
0x74: {  	[sflag:s30] =	ssyncset.done $0x0  }
0x75: {  	s10 =	simm.s32 $0x4DD0;
	[sflag:s30] =	ssyncadd.s32 $0xFFFFD800  }
0x76: {  	[spmem:s3] =	stream.indirect.scatter.add.f32 [tilespmem:s29], [sflag:$0x6], $0x80, s10, s25, $0xb8;
	[tilespmem:$0x1FEA0] =	vst v63  }
0x77: {  	_ =	swait.ge [sflag:s1], $0x2800  }
0x78: {  	[sflag:s1] =	ssyncset.done $0x0  }
0x79: {  	[sflag:s1] =	ssyncadd.s32 $0xFFFFD800  }
0x7a: {  	[tilespmem:s29], [sflag:$0x3] =	stream.indirect.gather [hbm4b:s0+s25], $0x80, s12, s25, $0xb8;
	[tilespmem:$0x1FEA0] =	vst v63  }
0x7b: {  	_ =	swait.ge [sflag:s13], $0x2800  }
0x7c: {  	[sflag:s13] =	ssyncset.done $0x0  }
0x7d: {  	s23 =	simm.s32 $0x2710;
	[sflag:s13] =	ssyncadd.s32 $0xFFFFD800  }
0x7e: {  	[spmem:s3] =	stream.indirect.scatter.add.f32 [tilespmem:s24], [sflag:$0x4], $0x80, s23, s25, $0xb8;
	[tilespmem:$0x1FEA0] =	vst v63  }
0x7f: {  	_ =	swait.ge [sflag:s14], $0x2800  }
0x80: {  	[sflag:s14] =	ssyncset.done $0x0  }
0x81: {  	s10 =	simm.s32 $0xF0;
	[sflag:s14] =	ssyncadd.s32 $0xFFFFD800  }
0x82: {  	[tilespmem:s24], [sflag:$0x1] =	stream.indirect.gather [hbm4b:s0+s25], $0x80, s10, s25, $0xb8;
	[tilespmem:$0x1FEA0] =	vst v63  }
0x83: {  	_ =	swait.ge [sflag:s15], $0x2800  }
0x84: {  	[sflag:s15] =	ssyncset.done $0x0  }
0x85: {  	s23 =	simm.s32 $0x2760;
	[sflag:s15] =	ssyncadd.s32 $0xFFFFD800  }
0x86: {  	[spmem:s3] =	stream.indirect.scatter.add.f32 [tilespmem:s26], [sflag:$0x5], $0x80, s23, s25, $0xb8;
	[tilespmem:$0x1FEA0] =	vst v63  }
0x87: {  	_ =	swait.ge [sflag:s16], $0x2800  }
0x88: {  	[sflag:s16] =	ssyncset.done $0x0  }
0x89: {  	s10 =	simm.s32 $0x140;
	[sflag:s16] =	ssyncadd.s32 $0xFFFFD800  }
0x8a: {  	[tilespmem:s26], [sflag:$0x2] =	stream.indirect.gather [hbm4b:s0+s25], $0x80, s10, s25, $0xb8;
	[tilespmem:$0x1FEA0] =	vst v63  }
0x8b: {  	_ =	swait.ge [sflag:s30], $0x2800  }
0x8c: {  	[sflag:s30] =	ssyncset.done $0x0  }
0x8d: {  	s23 =	simm.s32 $0x27B0;
	[sflag:s30] =	ssyncadd.s32 $0xFFFFD800  }
0x8e: {  	[spmem:s3] =	stream.indirect.scatter.add.f32 [tilespmem:s29], [sflag:$0x6], $0x80, s23, s25, $0xb8;
	[tilespmem:$0x1FEA0] =	vst v63  }
0x8f: {  	_ =	swait.ge [sflag:s1], $0x2800  }
0x90: {  	[sflag:s1] =	ssyncset.done $0x0  }
0x91: {  	s8 =	simm.s32 $0x3C0;
	s10 =	simm.s32 $0x190;
	[sflag:s1] =	ssyncadd.s32 $0xFFFFD800  }
.LBB2_7:
0x92: {  	[tilespmem:s29], [sflag:$0x3] =	stream.indirect.gather [hbm4b:s0+s25], $0x80, s10, s25, $0xb8;
	[tilespmem:$0x1FEA0] =	vst v63  }
0x93: {  	s10 =	smov.u32 s8  }
0x94: {  	p2 =	sne.s32 s8, $0x9240;
	s8 =	sadd.s32 $0x3C0, s8;
	_ =	swait.ge [sflag:s13], $0x2800  }
0x95: {  	s10 =	sshra.s32 s10, $0x2;
	[sflag:s13] =	ssyncset.done $0x0  }
0x96: {  	s23 =	sadd.s32 $0x2710, s10;
	[sflag:s13] =	ssyncadd.s32 $0xFFFFD800  }
0x97: {  	[spmem:s3] =	stream.indirect.scatter.add.f32 [tilespmem:s24], [sflag:$0x4], $0x80, s23, s25, $0xb8;
	[tilespmem:$0x1FEA0] =	vst v63  }
0x98: {  	_ =	swait.ge [sflag:s14], $0x2800  }
0x99: {  	[sflag:s14] =	ssyncset.done $0x0  }
0x9a: {  	s23 =	sadd.s32 $0xF0, s10;
	[sflag:s14] =	ssyncadd.s32 $0xFFFFD800  }
0x9b: {  	[tilespmem:s24], [sflag:$0x1] =	stream.indirect.gather [hbm4b:s0+s25], $0x80, s23, s25, $0xb8;
	[tilespmem:$0x1FEA0] =	vst v63  }
0x9c: {  	_ =	swait.ge [sflag:s15], $0x2800  }
0x9d: {  	[sflag:s15] =	ssyncset.done $0x0  }
0x9e: {  	s23 =	sadd.s32 $0x2760, s10;
	[sflag:s15] =	ssyncadd.s32 $0xFFFFD800  }
0x9f: {  	[spmem:s3] =	stream.indirect.scatter.add.f32 [tilespmem:s26], [sflag:$0x5], $0x80, s23, s25, $0xb8;
	[tilespmem:$0x1FEA0] =	vst v63  }
0xa0: {  	_ =	swait.ge [sflag:s16], $0x2800  }
0xa1: {  	[sflag:s16] =	ssyncset.done $0x0  }
0xa2: {  	s23 =	sadd.s32 $0x140, s10;
	[sflag:s16] =	ssyncadd.s32 $0xFFFFD800  }
0xa3: {  	[tilespmem:s26], [sflag:$0x2] =	stream.indirect.gather [hbm4b:s0+s25], $0x80, s23, s25, $0xb8;
	[tilespmem:$0x1FEA0] =	vst v63  }
0xa4: {  	_ =	swait.ge [sflag:s30], $0x2800  }
0xa5: {  	[sflag:s30] =	ssyncset.done $0x0  }
.Ltmp3:
0xa6: {  	s23 =	sadd.s32 $0x27B0, s10;
	[sflag:s30] =	ssyncadd.s32 $0xFFFFD800;
	(pc) =	sbr.rel @p2 .LBB2_7-.Ltmp3, $4  }
0xa7: {  	[spmem:s3] =	stream.indirect.scatter.add.f32 [tilespmem:s29], [sflag:$0x6], $0x80, s23, s25, $0xb8;
	[tilespmem:$0x1FEA0] =	vst v63  }
0xa8: {  	_ =	swait.ge [sflag:s1], $0x2800  }
0xa9: {  	[sflag:s1] =	ssyncset.done $0x0  }
0xaa: {  	s10 =	sadd.s32 $0x190, s10;
	[sflag:s1] =	ssyncadd.s32 $0xFFFFD800  }
0xab: {  	[tilespmem:s29], [sflag:$0x3] =	stream.indirect.gather [hbm4b:s0+s25], $0x80, s10, s25, $0xb8;
	[tilespmem:$0x1FEA0] =	vst v63  }
0xac: {  	_ =	swait.ge [sflag:s13], $0x2800  }
0xad: {  	[sflag:s13] =	ssyncset.done $0x0  }
0xae: {  	s8 =	simm.s32 $0x4C90;
	[sflag:s13] =	ssyncadd.s32 $0xFFFFD800  }
0xaf: {  	[spmem:s3] =	stream.indirect.scatter.add.f32 [tilespmem:s24], [sflag:$0x4], $0x80, s8, s25, $0xb8;
	[tilespmem:$0x1FEA0] =	vst v63  }
0xb0: {  	_ =	swait.ge [sflag:s14], $0x2800  }
0xb1: {  	[sflag:s14] =	ssyncset.done $0x0  }
0xb2: {  	[sflag:s14] =	ssyncadd.s32 $0xFFFFD800  }
0xb3: {  	[tilespmem:s24], [sflag:$0x1] =	stream.indirect.gather [hbm4b:s0+s25], $0x80, s4, s25, $0xb8;
	[tilespmem:$0x1FEA0] =	vst v63  }
0xb4: {  	_ =	swait.ge [sflag:s15], $0x2800  }
0xb5: {  	[sflag:s15] =	ssyncset.done $0x0  }
0xb6: {  	[sflag:s15] =	ssyncadd.s32 $0xFFFFD800  }
0xb7: {  	[spmem:s3] =	stream.indirect.scatter.add.f32 [tilespmem:s26], [sflag:$0x5], $0x80, s17, s25, $0xb8;
	[tilespmem:$0x1FEA0] =	vst v63  }
0xb8: {  	_ =	swait.ge [sflag:s16], $0x2800  }
0xb9: {  	[sflag:s16] =	ssyncset.done $0x0  }
0xba: {  	[sflag:s16] =	ssyncadd.s32 $0xFFFFD800  }
0xbb: {  	[tilespmem:s26], [sflag:$0x2] =	stream.indirect.gather [hbm4b:s0+s25], $0x80, s25, s25, $0xb8;
	[tilespmem:$0x1FEA0] =	vst v63  }
0xbc: {  	_ =	swait.ge [sflag:s30], $0x2800  }
0xbd: {  	[sflag:s30] =	ssyncset.done $0x0  }
0xbe: {  	[sflag:s30] =	ssyncadd.s32 $0xFFFFD800  }
0xbf: {  	[spmem:s3] =	stream.indirect.scatter.add.f32 [tilespmem:s29], [sflag:$0x6], $0x80, s18, s25, $0xb8;
	[tilespmem:$0x1FEA0] =	vst v63  }
0xc0: {  	_ =	swait.ge [sflag:s1], $0x2800  }
0xc1: {  	[sflag:s1] =	ssyncset.done $0x0  }
0xc2: {  	[sflag:s1] =	ssyncadd.s32 $0xFFFFD800  }
0xc3: {  	[tilespmem:s29], [sflag:$0x3] =	stream.indirect.gather [hbm4b:s0+s25], $0x80, s12, s25, $0xb8;
	[tilespmem:$0x1FEA0] =	vst v63  }
0xc4: {  	_ =	swait.ge [sflag:s13], $0x2800  }
0xc5: {  	[sflag:s13] =	ssyncset.done $0x0  }
0xc6: {  	[sflag:s13] =	ssyncadd.s32 $0xFFFFD800  }
0xc7: {  	_ =	swait.ge [sflag:s15], $0x2800  }
0xc8: {  	[sflag:s15] =	ssyncset.done $0x0  }
0xc9: {  	[sflag:s15] =	ssyncadd.s32 $0xFFFFD800  }
0xca: {  	_ =	swait.ge [sflag:s30], $0x2800  }
0xcb: {  	[sflag:s30] =	ssyncset.done $0x0  }
0xcc: {  	s10 =	sshll.u32 s2, $0x6;
	[sflag:s30] =	ssyncadd.s32 $0xFFFFD800  }
0xcd: {  	s23 =	sshrl.u32 s7, $0x3;
	s8 =	sor.u32 $0x1C07, s10;
	[bflag:$0x0] =	sbarrier.arrive $0xFFFF  }
0xce: {  	[hbm:s19], [sflag:s8] =	dma.local [spmem:s23], $0x2700  }
0xcf: {  	_ =	swait.ge [sflag:s22], $0x2700  }
0xd0: {  	s28 =	sadd.s32 $0x1, s28;
	[sflag:s22] =	ssyncset.done $0x0  }
0xd1: {  	p2 =	sne.s32 s28, s21;
	[sflag:s22] =	ssyncadd.s32 $0xFFFFD900  }
0xd2: {  	[hbm:s20], [sflag:s8] =	dma.local @!p1 [spmem:s31], $0x100  }
.Ltmp4:
0xd3: {  	_ = 	snop;
	(pc) =	sbr.rel @p2 .LBB2_1-.Ltmp4, $4  }
0xd4: {  	s8 =	simm.s32 @!p1 $0x7  }
0xd5: {  	_ =	swait.ge @!p1 [sflag:s8], $0x100  }
0xd6: {  	[sflag:s8] =	ssyncset.done @!p1 $0x0  }
0xd7: {  	[sflag:s8] =	ssyncadd.s32 @!p1 $0xFFFFFF00  }
0xd8: {  	_ =	sfence.sel $0x180000  }
0xd9: {  	[bflag:$0x0] =	sbarrier.arrive $0xFFFF  }
0xda: {  	_ =	strace $0x90000047  }
0xdb: {  	[bflag:$0x2] =	sbarrier.arrive $0xFFFF  }
0xdc: {  	s0 =	rddreg [dreg:$0x4]  }
0xdd: {  	s0 =	sadd.s32 @!p1 $0x100000, s0  }
0xde: {  	[sflag:s0] =	ssyncadd.tile.s32 @!p1 $0x1;
	_ =	shalt  }
.Lfunc_end2:
_tile_overlayer_lowered:
.L_overlay_start_2:
0xdf: {  	(tag) =	ssettag $0x2  }
0xe0: {  	s0 =	rddreg [dreg:$0x0];
	s2 =	stileid.u32  }
0xe1: {  	s1 =	rddreg [dreg:$0x1];
	p0 =	sne.s32 s2, $0x0  }
0xe2: {  	s3 =	rddreg [dreg:$0x2];
	[bflag:$0x3] =	sbarrier.arrive $0xFFFF;
	s2 =	simm.s32 @!p0 $0x1C07  }
0xe3: {  	[timem:s3], [sflag:s2] =	dma.local @!p0 [hbm:s0], s1  }
0xe4: {  	s0 =	simm.s32 @!p0 $0x7  }
0xe5: {  	_ =	swait.ge @!p0 [sflag:s0], s1  }
0xe6: {  	s1 =	ssub.s32 @!p0 $0x0, s1;
	[sflag:s0] =	ssyncset.done @!p0 $0x0  }
0xe7: {  	[sflag:s0] =	ssyncadd.s32 @!p0 s1  }
0xe8: {  	[bflag:$0x3] =	sbarrier.arrive $0xFFFF  }
0xe9: {  	_ =	shalt  }

</sc_bundles>
